<compile_context>
chip_gen: v7x
topology: tpu7x:2x2x1
jax: 0.10.2.dev20260603
libtpu: 0.0.44.dev20260713+nightly
codegen_flags: <defaults>
</compile_context>

<pallas_src>
import functools

import jax
import jax.numpy as jnp
from jax import lax
from jax.experimental import pallas as pl
from jax.experimental.pallas import tpu as pltpu
from jax.experimental.pallas import tpu_sc as plsc

D = 256
HD = 128
CHUNK = 160


def _rtne_bf16_bits(u):
    return u + jnp.uint32(0x7FFF) + ((u >> 16) & jnp.uint32(1))


def _castcopy_body(e_ref, cp_ref, pk_ref):
    x = e_ref[...]
    cp_ref[...] = x
    ul = jax.lax.bitcast_convert_type(x[:, :HD], jnp.uint32)
    uh = jax.lax.bitcast_convert_type(x[:, HD:], jnp.uint32)
    lo = _rtne_bf16_bits(ul) >> 16
    hi = _rtne_bf16_bits(uh) & jnp.uint32(0xFFFF0000)
    pk_ref[...] = jax.lax.bitcast_convert_type(lo | hi, jnp.int32)


@functools.lru_cache(maxsize=None)
def _make_castcopy(V: int, RB: int):
    nb = V // RB
    assert nb * RB == V
    return pl.pallas_call(
        _castcopy_body,
        grid=(nb,),
        in_specs=[pl.BlockSpec((RB, D), lambda i: (i, 0))],
        out_specs=[pl.BlockSpec((RB, D), lambda i: (i, 0)),
                   pl.BlockSpec((RB, HD), lambda i: (i, 0))],
        out_shape=[jax.ShapeDtypeStruct((V, D), jnp.float32),
                   jax.ShapeDtypeStruct((V, HD), jnp.int32)],
    )


@functools.lru_cache(maxsize=None)
def _make_gather2(B: int, dtype=jnp.int32, width=HD):
    info = plsc.get_sparse_core_info()
    nc, ns = info.num_cores, info.num_subcores
    nw = nc * ns
    nchunk = B // CHUNK
    assert nchunk * CHUNK == B
    units_per_worker = -(-nchunk // nw)
    mesh = plsc.VectorSubcoreMesh(core_axis_name="c", subcore_axis_name="s")

    @functools.partial(
        pl.kernel,
        mesh=mesh,
        out_type=[
            jax.ShapeDtypeStruct((B, width), dtype),
            jax.ShapeDtypeStruct((B, width), dtype),
        ],
        scratch_types=[
            pltpu.VMEM((CHUNK,), jnp.int32),
            pltpu.VMEM((CHUNK,), jnp.int32),
            pltpu.VMEM((CHUNK, width), dtype),
            pltpu.VMEM((CHUNK, width), dtype),
            pltpu.SemaphoreType.DMA,
            pltpu.SemaphoreType.DMA,
        ],
    )
    def gather2(uids_hbm, iids_hbm, eg_hbm, ed_hbm, outu_hbm, outi_hbm,
                uidx_v, iidx_v, urow_v, irow_v, usem, isem):
        wid = lax.axis_index("s") * nc + lax.axis_index("c")

        def body(k, carry):
            g = wid * units_per_worker + k

            @pl.when(g < nchunk)
            def _():
                base = g * CHUNK
                pltpu.sync_copy(uids_hbm.at[pl.ds(base, CHUNK)], uidx_v)
                pltpu.sync_copy(iids_hbm.at[pl.ds(base, CHUNK)], iidx_v)
                ucp = pltpu.async_copy(eg_hbm.at[uidx_v], urow_v, usem)
                icp = pltpu.async_copy(ed_hbm.at[iidx_v], irow_v, isem)
                ucp.wait()
                pltpu.sync_copy(urow_v, outu_hbm.at[pl.ds(base, CHUNK)])
                icp.wait()
                pltpu.sync_copy(irow_v, outi_hbm.at[pl.ds(base, CHUNK)])

            return carry

        lax.fori_loop(0, units_per_worker, body, 0)

    return gather2


def _unpack_bf16(p_i32):
    u = jax.lax.bitcast_convert_type(p_i32, jnp.uint32)
    lo = jax.lax.bitcast_convert_type(u << 16, jnp.float32)
    hi = jax.lax.bitcast_convert_type(u & jnp.uint32(0xFFFF0000), jnp.float32)
    return lo.astype(jnp.bfloat16), hi.astype(jnp.bfloat16)


def _mlp_core(u_ref, i_ref, w1a_ref, w1b_ref, b1_ref, w2_ref, b2_ref,
              w3t_ref, b3_ref, out_ref):
    bf = jnp.bfloat16
    u = jnp.concatenate(_unpack_bf16(u_ref[...]), axis=1)
    i = jnp.concatenate(_unpack_bf16(i_ref[...]), axis=1)
    h = (
        jnp.dot(u, w1a_ref[...].astype(bf), preferred_element_type=jnp.float32)
        + jnp.dot(i, w1b_ref[...].astype(bf), preferred_element_type=jnp.float32)
        + b1_ref[...]
    )
    h = jnp.maximum(h, 0.0)
    h = jnp.dot(h.astype(bf), w2_ref[...].astype(bf),
                preferred_element_type=jnp.float32) + b2_ref[...]
    h = jnp.maximum(h, 0.0)
    out_ref[...] = (
        lax.dot_general(w3t_ref[...].astype(bf), h.astype(bf),
                        (((1,), (1,)), ((), ())),
                        preferred_element_type=jnp.float32)
        + b3_ref[...]
    )[None]


@functools.lru_cache(maxsize=None)
def _make_mlp(B: int, R: int, interpret: bool = False):
    nb = B // R
    assert nb * R == B
    rep = lambda i: (0, 0)
    return pl.pallas_call(
        _mlp_core,
        grid=(nb,),
        in_specs=[
            pl.BlockSpec((R, HD), lambda i: (i, 0)),
            pl.BlockSpec((R, HD), lambda i: (i, 0)),
            pl.BlockSpec((D, D), rep),
            pl.BlockSpec((D, D), rep),
            pl.BlockSpec((1, D), rep),
            pl.BlockSpec((D, D), rep),
            pl.BlockSpec((1, D), rep),
            pl.BlockSpec((1, D), rep),
            pl.BlockSpec((1, 1), rep),
        ],
        out_specs=pl.BlockSpec((1, 1, R), lambda i: (i, 0, 0)),
        out_shape=jax.ShapeDtypeStruct((nb, 1, R), jnp.float32),
        interpret=interpret,
    )


def kernel(uids, iids, E_g, E_d, W1, b1, W2, b2, W3, b3):
    B = uids.shape[0]
    S = 5
    Bs = B // S
    assert Bs * S == B
    uids = uids.astype(jnp.int32)
    iids = iids.astype(jnp.int32)
    V = E_g.shape[0]
    castcopy = _make_castcopy(V, 2000)
    eg_cp, eg_pk = castcopy(E_g)
    ed_cp, ed_pk = castcopy(E_d)
    gather_pk = _make_gather2(Bs)
    mlp = _make_mlp(Bs, 5000)
    w_args = (W1[:D], W1[D:], b1.reshape(1, D), W2, b2.reshape(1, D),
              W3.reshape(1, D), b3.reshape(1, 1))
    preds = []
    for s in range(S):
        sl = slice(s * Bs, (s + 1) * Bs)
        u_emb, i_emb = gather_pk(uids[sl], iids[sl], eg_pk, ed_pk)
        out = mlp(u_emb, i_emb, *w_args)
        preds.append(out.reshape(1, Bs))
    return (jnp.concatenate(preds, axis=1), eg_cp, ed_cp)

# --- scband reference (transcript-rebuilt; emitter-appended) ---
"""Pipeline reference for scband-gcnddp-diffusion-16810501996744 (READ-ONLY COPY).

The authoritative reference and input builder live on the scoring server;
editing this copy changes nothing except your own understanding.
"""

import jax, jax.numpy as jnp
import numpy as np

N_U = 50000
N_I = 50000
D = 256
B = 100000


def _xavier(k, shape):
    fan_in, fan_out = shape[0], shape[1]
    limit = float(np.sqrt(6.0 / (fan_in + fan_out)))
    return jax.random.uniform(k, shape, minval=-limit, maxval=limit, dtype=jnp.float32)


def setup_inputs(seed: int = 0) -> dict:
    key = jax.random.key(seed)
    ks = jax.random.split(key, 10)
    uids = jax.random.randint(ks[0], (B,), 0, N_U)
    iids = jax.random.randint(ks[1], (B,), 0, N_I)
    E_g = _xavier(ks[2], (N_U, D))  # self.E_g_GNN (propagated gene embeddings at test time)
    E_d = _xavier(ks[3], (N_I, D))  # self.E_d_GNN (propagated drug embeddings at test time)
    # concat_mlp: Linear(2d, d) -> ReLU -> Linear(d, d) -> ReLU -> Linear(d, 1)
    W1 = _xavier(ks[4], (2 * D, D)); b1 = jnp.zeros((D,), jnp.float32)
    W2 = _xavier(ks[5], (D, D));     b2 = jnp.zeros((D,), jnp.float32)
    W3 = _xavier(ks[6], (D, 1));     b3 = jnp.zeros((1,), jnp.float32)
    return {"uids": uids, "iids": iids, "E_g": E_g, "E_d": E_d,
            "W1": W1, "b1": b1, "W2": W2, "b2": b2, "W3": W3, "b3": b3}


def reference(uids, iids, E_g, E_d, W1, b1, W2, b2, W3, b3):
    # test==True branch of GCNDDP_diffusion.forward
    u_emb = jnp.take(E_g, uids, axis=0)          # gather [B, D]
    i_emb = jnp.take(E_d, iids, axis=0)          # gather [B, D]
    h = jnp.concatenate([u_emb, i_emb], axis=-1)[None, ...]  # unsqueeze(0) -> [1, B, 2D]
    h = jax.nn.relu(h @ W1 + b1)
    h = jax.nn.relu(h @ W2 + b2)
    pred = (h @ W3 + b3).squeeze(-1)             # [1, B]
    return (pred, E_g, E_d)

if __name__ == "__main__":
    import jax
    _d = setup_inputs()
    print(jax.jit(kernel)(*tuple(_d.values())))

</pallas_src>

<mosaic_0001>
#map = affine_map<(d0, d1) -> (0)>
#map1 = affine_map<(d0, d1) -> (0, 0)>
module attributes {stable_mosaic.version = 14 : i64} {
  func.func @gather2(%arg0: i32, %arg1: i32, %arg2: memref<20000xi32, #tpu.memory_space<hbm>>, %arg3: memref<20000xi32, #tpu.memory_space<hbm>>, %arg4: memref<50000x128xi32, #tpu.memory_space<hbm>>, %arg5: memref<50000x128xi32, #tpu.memory_space<hbm>>, %arg6: memref<20000x128xi32, #tpu.memory_space<hbm>>, %arg7: memref<20000x128xi32, #tpu.memory_space<hbm>>, %arg8: memref<160xi32, #tpu.memory_space<vmem>>, %arg9: memref<160xi32, #tpu.memory_space<vmem>>, %arg10: memref<160x128xi32, #tpu.memory_space<vmem>>, %arg11: memref<160x128xi32, #tpu.memory_space<vmem>>, %arg12: memref<!tpu.dma_semaphore, #tpu.memory_space<semaphore_mem>>, %arg13: memref<!tpu.dma_semaphore, #tpu.memory_space<semaphore_mem>>) attributes {dimension_semantics = [#tpu.dimension_semantics<core_parallel>, #tpu.dimension_semantics<subcore_parallel>], iteration_bounds = array<i64: 2, 16>, scalar_prefetch = 0 : i64, scratch_operands = 6 : i64, tpu.core_type = #tpu.core_type<sc_vector_subcore>, window_params = [{transform_indices = #map}, {transform_indices = #map}, {transform_indices = #map1}, {transform_indices = #map1}, {transform_indices = #map1}, {transform_indices = #map1}]} {
    %mul3A = arith.constant 2 : i32
    %mul3A_0 = arith.muli %arg1, %mul3A : i32
    %add3A = arith.addi %mul3A_0, %arg0 : i32
    %scan3A = arith.constant 0 : i32
    %scan3A_1 = arith.constant 0 : i32
    %scan3A_2 = arith.constant 4 : i32
    %scan3A_3 = arith.addi %scan3A_1, %scan3A_2 : i32
    %scan3A_4 = arith.constant 1 : i32
    scf.for %scan3A_6 = %scan3A_1 to %scan3A_3 step %scan3A_4  : i32 {
      %mul3A_7 = arith.constant 4 : i32
      %mul3A_8 = arith.muli %add3A, %mul3A_7 : i32
      %add3A_9 = arith.addi %mul3A_8, %scan3A_6 : i32
      %lt3A = arith.constant 125 : i32
      %lt3A_10 = arith.cmpi slt, %add3A_9, %lt3A : i32
      %convert_element_type3A = arith.extui %lt3A_10 : i1 to i32
      %cond3A = arith.constant 0 : i32
      %cond3A_11 = arith.cmpi ne, %convert_element_type3A, %cond3A : i32
      scf.if %cond3A_11 {
        %mul3A_12 = arith.constant 160 : i32
        %mul3A_13 = arith.muli %add3A_9, %mul3A_12 : i32
        "tpu.region"() ({
          %run_scoped3A = tpu.sem_alloc : memref<!tpu.dma_semaphore, #tpu.memory_space<semaphore_mem>>
          %dma_start3A_24 = tpu.memref_slice %arg2[%mul3A_13] : memref<20000xi32, #tpu.memory_space<hbm>> -> memref<160xi32, #tpu.memory_space<hbm>>
          %dma_start3A_25 = tpu.memref_slice %arg2[%mul3A_13] : memref<20000xi32, #tpu.memory_space<hbm>> -> memref<160xi32, #tpu.memory_space<hbm>>
          tpu.enqueue_dma source(%dma_start3A_25 : memref<160xi32, #tpu.memory_space<hbm>>) target(%arg8 : memref<160xi32, #tpu.memory_space<vmem>>) target_semaphore(%run_scoped3A : memref<!tpu.dma_semaphore, #tpu.memory_space<semaphore_mem>>)
          %dma_wait3A_26 = tpu.memref_slice %arg2[%mul3A_13] : memref<20000xi32, #tpu.memory_space<hbm>> -> memref<160xi32, #tpu.memory_space<hbm>>
          %dma_wait3A_27 = tpu.memref_slice %arg2[%mul3A_13] : memref<20000xi32, #tpu.memory_space<hbm>> -> memref<160xi32, #tpu.memory_space<hbm>>
          tpu.wait_dma2 semaphore(%run_scoped3A : memref<!tpu.dma_semaphore, #tpu.memory_space<semaphore_mem>>) src(%dma_wait3A_27 : memref<160xi32, #tpu.memory_space<hbm>>) dst(%arg8 : memref<160xi32, #tpu.memory_space<vmem>>)
          tpu.yield
        }) : () -> ()
        "tpu.region"() ({
          %run_scoped3A = tpu.sem_alloc : memref<!tpu.dma_semaphore, #tpu.memory_space<semaphore_mem>>
          %dma_start3A_24 = tpu.memref_slice %arg3[%mul3A_13] : memref<20000xi32, #tpu.memory_space<hbm>> -> memref<160xi32, #tpu.memory_space<hbm>>
          %dma_start3A_25 = tpu.memref_slice %arg3[%mul3A_13] : memref<20000xi32, #tpu.memory_space<hbm>> -> memref<160xi32, #tpu.memory_space<hbm>>
          tpu.enqueue_dma source(%dma_start3A_25 : memref<160xi32, #tpu.memory_space<hbm>>) target(%arg9 : memref<160xi32, #tpu.memory_space<vmem>>) target_semaphore(%run_scoped3A : memref<!tpu.dma_semaphore, #tpu.memory_space<semaphore_mem>>)
          %dma_wait3A_26 = tpu.memref_slice %arg3[%mul3A_13] : memref<20000xi32, #tpu.memory_space<hbm>> -> memref<160xi32, #tpu.memory_space<hbm>>
          %dma_wait3A_27 = tpu.memref_slice %arg3[%mul3A_13] : memref<20000xi32, #tpu.memory_space<hbm>> -> memref<160xi32, #tpu.memory_space<hbm>>
          tpu.wait_dma2 semaphore(%run_scoped3A : memref<!tpu.dma_semaphore, #tpu.memory_space<semaphore_mem>>) src(%dma_wait3A_27 : memref<160xi32, #tpu.memory_space<hbm>>) dst(%arg9 : memref<160xi32, #tpu.memory_space<vmem>>)
          tpu.yield
        }) : () -> ()
        %dma_start3A = arith.constant 0 : i32
        %dma_start3A_14 = arith.constant 0 : i32
        %dma_start3A_15 = tpu.memref_slice %arg4[%dma_start3A, %dma_start3A_14] : memref<50000x128xi32, #tpu.memory_space<hbm>> -> memref<50000x128xi32, #tpu.memory_space<hbm>>
        tpu.enqueue_indirect_dma source(%dma_start3A_15 : memref<50000x128xi32, #tpu.memory_space<hbm>>) target(%arg10 : memref<160x128xi32, #tpu.memory_space<vmem>>) offsets(%arg8 : memref<160xi32, #tpu.memory_space<vmem>>) semaphore(%arg12 : memref<!tpu.dma_semaphore, #tpu.memory_space<semaphore_mem>>)
        %dma_start3A_16 = arith.constant 0 : i32
        %dma_start3A_17 = arith.constant 0 : i32
        %dma_start3A_18 = tpu.memref_slice %arg5[%dma_start3A_16, %dma_start3A_17] : memref<50000x128xi32, #tpu.memory_space<hbm>> -> memref<50000x128xi32, #tpu.memory_space<hbm>>
        tpu.enqueue_indirect_dma source(%dma_start3A_18 : memref<50000x128xi32, #tpu.memory_space<hbm>>) target(%arg11 : memref<160x128xi32, #tpu.memory_space<vmem>>) offsets(%arg9 : memref<160xi32, #tpu.memory_space<vmem>>) semaphore(%arg13 : memref<!tpu.dma_semaphore, #tpu.memory_space<semaphore_mem>>)
        %dma_wait3A = arith.constant 0 : i32
        %dma_wait3A_19 = arith.constant 0 : i32
        %dma_wait3A_20 = tpu.memref_slice %arg4[%dma_wait3A, %dma_wait3A_19] : memref<50000x128xi32, #tpu.memory_space<hbm>> -> memref<50000x128xi32, #tpu.memory_space<hbm>>
        tpu.wait_indirect_dma semaphore(%arg12 : memref<!tpu.dma_semaphore, #tpu.memory_space<semaphore_mem>>) src(%dma_wait3A_20 : memref<50000x128xi32, #tpu.memory_space<hbm>>) dst(%arg10 : memref<160x128xi32, #tpu.memory_space<vmem>>)
        "tpu.region"() ({
          %run_scoped3A = tpu.sem_alloc : memref<!tpu.dma_semaphore, #tpu.memory_space<semaphore_mem>>
          %dma_start3A_24 = arith.constant 0 : i32
          %dma_start3A_25 = tpu.memref_slice %arg6[%mul3A_13, %dma_start3A_24] : memref<20000x128xi32, #tpu.memory_space<hbm>> -> memref<160x128xi32, #tpu.memory_space<hbm>>
          %dma_start3A_26 = arith.constant 0 : i32
          %dma_start3A_27 = tpu.memref_slice %arg6[%mul3A_13, %dma_start3A_26] : memref<20000x128xi32, #tpu.memory_space<hbm>> -> memref<160x128xi32, #tpu.memory_space<hbm>>
          tpu.enqueue_dma source(%arg10 : memref<160x128xi32, #tpu.memory_space<vmem>>) target(%dma_start3A_27 : memref<160x128xi32, #tpu.memory_space<hbm>>) target_semaphore(%run_scoped3A : memref<!tpu.dma_semaphore, #tpu.memory_space<semaphore_mem>>)
          %dma_wait3A_28 = arith.constant 0 : i32
          %dma_wait3A_29 = tpu.memref_slice %arg6[%mul3A_13, %dma_wait3A_28] : memref<20000x128xi32, #tpu.memory_space<hbm>> -> memref<160x128xi32, #tpu.memory_space<hbm>>
          %dma_wait3A_30 = arith.constant 0 : i32
          %dma_wait3A_31 = tpu.memref_slice %arg6[%mul3A_13, %dma_wait3A_30] : memref<20000x128xi32, #tpu.memory_space<hbm>> -> memref<160x128xi32, #tpu.memory_space<hbm>>
          tpu.wait_dma2 semaphore(%run_scoped3A : memref<!tpu.dma_semaphore, #tpu.memory_space<semaphore_mem>>) src(%arg10 : memref<160x128xi32, #tpu.memory_space<vmem>>) dst(%dma_wait3A_31 : memref<160x128xi32, #tpu.memory_space<hbm>>)
          tpu.yield
        }) : () -> ()
        %dma_wait3A_21 = arith.constant 0 : i32
        %dma_wait3A_22 = arith.constant 0 : i32
        %dma_wait3A_23 = tpu.memref_slice %arg5[%dma_wait3A_21, %dma_wait3A_22] : memref<50000x128xi32, #tpu.memory_space<hbm>> -> memref<50000x128xi32, #tpu.memory_space<hbm>>
        tpu.wait_indirect_dma semaphore(%arg13 : memref<!tpu.dma_semaphore, #tpu.memory_space<semaphore_mem>>) src(%dma_wait3A_23 : memref<50000x128xi32, #tpu.memory_space<hbm>>) dst(%arg11 : memref<160x128xi32, #tpu.memory_space<vmem>>)
        "tpu.region"() ({
          %run_scoped3A = tpu.sem_alloc : memref<!tpu.dma_semaphore, #tpu.memory_space<semaphore_mem>>
          %dma_start3A_24 = arith.constant 0 : i32
          %dma_start3A_25 = tpu.memref_slice %arg7[%mul3A_13, %dma_start3A_24] : memref<20000x128xi32, #tpu.memory_space<hbm>> -> memref<160x128xi32, #tpu.memory_space<hbm>>
          %dma_start3A_26 = arith.constant 0 : i32
          %dma_start3A_27 = tpu.memref_slice %arg7[%mul3A_13, %dma_start3A_26] : memref<20000x128xi32, #tpu.memory_space<hbm>> -> memref<160x128xi32, #tpu.memory_space<hbm>>
          tpu.enqueue_dma source(%arg11 : memref<160x128xi32, #tpu.memory_space<vmem>>) target(%dma_start3A_27 : memref<160x128xi32, #tpu.memory_space<hbm>>) target_semaphore(%run_scoped3A : memref<!tpu.dma_semaphore, #tpu.memory_space<semaphore_mem>>)
          %dma_wait3A_28 = arith.constant 0 : i32
          %dma_wait3A_29 = tpu.memref_slice %arg7[%mul3A_13, %dma_wait3A_28] : memref<20000x128xi32, #tpu.memory_space<hbm>> -> memref<160x128xi32, #tpu.memory_space<hbm>>
          %dma_wait3A_30 = arith.constant 0 : i32
          %dma_wait3A_31 = tpu.memref_slice %arg7[%mul3A_13, %dma_wait3A_30] : memref<20000x128xi32, #tpu.memory_space<hbm>> -> memref<160x128xi32, #tpu.memory_space<hbm>>
          tpu.wait_dma2 semaphore(%run_scoped3A : memref<!tpu.dma_semaphore, #tpu.memory_space<semaphore_mem>>) src(%arg11 : memref<160x128xi32, #tpu.memory_space<vmem>>) dst(%dma_wait3A_31 : memref<160x128xi32, #tpu.memory_space<hbm>>)
          tpu.yield
        }) : () -> ()
      } else {
      }
    }
    %scan3A_5 = arith.constant 4 : i32
    return
  }
}

#map = affine_map<(d0, d1) -> (0)>
#map1 = affine_map<(d0, d1) -> (0, 0)>
module attributes {stable_mosaic.version = 14 : i64} {
  func.func @gather2(%arg0: i32, %arg1: i32, %arg2: memref<20000xi32, #tpu.memory_space<hbm>>, %arg3: memref<20000xi32, #tpu.memory_space<hbm>>, %arg4: memref<50000x128xi32, #tpu.memory_space<hbm>>, %arg5: memref<50000x128xi32, #tpu.memory_space<hbm>>, %arg6: memref<20000x128xi32, #tpu.memory_space<hbm>>, %arg7: memref<20000x128xi32, #tpu.memory_space<hbm>>, %arg8: memref<160xi32, #tpu.memory_space<vmem>>, %arg9: memref<160xi32, #tpu.memory_space<vmem>>, %arg10: memref<160x128xi32, #tpu.memory_space<vmem>>, %arg11: memref<160x128xi32, #tpu.memory_space<vmem>>, %arg12: memref<!tpu.dma_semaphore, #tpu.memory_space<semaphore_mem>>, %arg13: memref<!tpu.dma_semaphore, #tpu.memory_space<semaphore_mem>>) attributes {dimension_semantics = [#tpu.dimension_semantics<core_parallel>, #tpu.dimension_semantics<subcore_parallel>], iteration_bounds = array<i64: 2, 16>, scalar_prefetch = 0 : i64, scratch_operands = 6 : i64, tpu.core_type = #tpu.core_type<sc_vector_subcore>, window_params = [{transform_indices = #map}, {transform_indices = #map}, {transform_indices = #map1}, {transform_indices = #map1}, {transform_indices = #map1}, {transform_indices = #map1}]} {
    %mul3A = arith.constant 2 : i32
    %mul3A_0 = arith.muli %arg1, %mul3A : i32
    %add3A = arith.addi %mul3A_0, %arg0 : i32
    %scan3A = arith.constant 0 : i32
    %scan3A_1 = arith.constant 0 : i32
    %scan3A_2 = arith.constant 4 : i32
    %scan3A_3 = arith.addi %scan3A_1, %scan3A_2 : i32
    %scan3A_4 = arith.constant 1 : i32
    scf.for %scan3A_6 = %scan3A_1 to %scan3A_3 step %scan3A_4  : i32 {
      %mul3A_7 = arith.constant 4 : i32
      %mul3A_8 = arith.muli %add3A, %mul3A_7 : i32
      %add3A_9 = arith.addi %mul3A_8, %scan3A_6 : i32
      %lt3A = arith.constant 125 : i32
      %lt3A_10 = arith.cmpi slt, %add3A_9, %lt3A : i32
      %convert_element_type3A = arith.extui %lt3A_10 : i1 to i32
      %cond3A = arith.constant 0 : i32
      %cond3A_11 = arith.cmpi ne, %convert_element_type3A, %cond3A : i32
      scf.if %cond3A_11 {
        %mul3A_12 = arith.constant 160 : i32
        %mul3A_13 = arith.muli %add3A_9, %mul3A_12 : i32
        "tpu.region"() ({
          %run_scoped3A = tpu.sem_alloc : memref<!tpu.dma_semaphore, #tpu.memory_space<semaphore_mem>>
          %dma_start3A_24 = tpu.memref_slice %arg2[%mul3A_13] : memref<20000xi32, #tpu.memory_space<hbm>> -> memref<160xi32, #tpu.memory_space<hbm>>
          %dma_start3A_25 = tpu.memref_slice %arg2[%mul3A_13] : memref<20000xi32, #tpu.memory_space<hbm>> -> memref<160xi32, #tpu.memory_space<hbm>>
          tpu.enqueue_dma source(%dma_start3A_25 : memref<160xi32, #tpu.memory_space<hbm>>) target(%arg8 : memref<160xi32, #tpu.memory_space<vmem>>) target_semaphore(%run_scoped3A : memref<!tpu.dma_semaphore, #tpu.memory_space<semaphore_mem>>)
          %dma_wait3A_26 = tpu.memref_slice %arg2[%mul3A_13] : memref<20000xi32, #tpu.memory_space<hbm>> -> memref<160xi32, #tpu.memory_space<hbm>>
          %dma_wait3A_27 = tpu.memref_slice %arg2[%mul3A_13] : memref<20000xi32, #tpu.memory_space<hbm>> -> memref<160xi32, #tpu.memory_space<hbm>>
          tpu.wait_dma2 semaphore(%run_scoped3A : memref<!tpu.dma_semaphore, #tpu.memory_space<semaphore_mem>>) src(%dma_wait3A_27 : memref<160xi32, #tpu.memory_space<hbm>>) dst(%arg8 : memref<160xi32, #tpu.memory_space<vmem>>)
          tpu.yield
        }) : () -> ()
        "tpu.region"() ({
          %run_scoped3A = tpu.sem_alloc : memref<!tpu.dma_semaphore, #tpu.memory_space<semaphore_mem>>
          %dma_start3A_24 = tpu.memref_slice %arg3[%mul3A_13] : memref<20000xi32, #tpu.memory_space<hbm>> -> memref<160xi32, #tpu.memory_space<hbm>>
          %dma_start3A_25 = tpu.memref_slice %arg3[%mul3A_13] : memref<20000xi32, #tpu.memory_space<hbm>> -> memref<160xi32, #tpu.memory_space<hbm>>
          tpu.enqueue_dma source(%dma_start3A_25 : memref<160xi32, #tpu.memory_space<hbm>>) target(%arg9 : memref<160xi32, #tpu.memory_space<vmem>>) target_semaphore(%run_scoped3A : memref<!tpu.dma_semaphore, #tpu.memory_space<semaphore_mem>>)
          %dma_wait3A_26 = tpu.memref_slice %arg3[%mul3A_13] : memref<20000xi32, #tpu.memory_space<hbm>> -> memref<160xi32, #tpu.memory_space<hbm>>
          %dma_wait3A_27 = tpu.memref_slice %arg3[%mul3A_13] : memref<20000xi32, #tpu.memory_space<hbm>> -> memref<160xi32, #tpu.memory_space<hbm>>
          tpu.wait_dma2 semaphore(%run_scoped3A : memref<!tpu.dma_semaphore, #tpu.memory_space<semaphore_mem>>) src(%dma_wait3A_27 : memref<160xi32, #tpu.memory_space<hbm>>) dst(%arg9 : memref<160xi32, #tpu.memory_space<vmem>>)
          tpu.yield
        }) : () -> ()
        %dma_start3A = arith.constant 0 : i32
        %dma_start3A_14 = arith.constant 0 : i32
        %dma_start3A_15 = tpu.memref_slice %arg4[%dma_start3A, %dma_start3A_14] : memref<50000x128xi32, #tpu.memory_space<hbm>> -> memref<50000x128xi32, #tpu.memory_space<hbm>>
        tpu.enqueue_indirect_dma source(%dma_start3A_15 : memref<50000x128xi32, #tpu.memory_space<hbm>>) target(%arg10 : memref<160x128xi32, #tpu.memory_space<vmem>>) offsets(%arg8 : memref<160xi32, #tpu.memory_space<vmem>>) semaphore(%arg12 : memref<!tpu.dma_semaphore, #tpu.memory_space<semaphore_mem>>)
        %dma_start3A_16 = arith.constant 0 : i32
        %dma_start3A_17 = arith.constant 0 : i32
        %dma_start3A_18 = tpu.memref_slice %arg5[%dma_start3A_16, %dma_start3A_17] : memref<50000x128xi32, #tpu.memory_space<hbm>> -> memref<50000x128xi32, #tpu.memory_space<hbm>>
        tpu.enqueue_indirect_dma source(%dma_start3A_18 : memref<50000x128xi32, #tpu.memory_space<hbm>>) target(%arg11 : memref<160x128xi32, #tpu.memory_space<vmem>>) offsets(%arg9 : memref<160xi32, #tpu.memory_space<vmem>>) semaphore(%arg13 : memref<!tpu.dma_semaphore, #tpu.memory_space<semaphore_mem>>)
        %dma_wait3A = arith.constant 0 : i32
        %dma_wait3A_19 = arith.constant 0 : i32
        %dma_wait3A_20 = tpu.memref_slice %arg4[%dma_wait3A, %dma_wait3A_19] : memref<50000x128xi32, #tpu.memory_space<hbm>> -> memref<50000x128xi32, #tpu.memory_space<hbm>>
        tpu.wait_indirect_dma semaphore(%arg12 : memref<!tpu.dma_semaphore, #tpu.memory_space<semaphore_mem>>) src(%dma_wait3A_20 : memref<50000x128xi32, #tpu.memory_space<hbm>>) dst(%arg10 : memref<160x128xi32, #tpu.memory_space<vmem>>)
        "tpu.region"() ({
          %run_scoped3A = tpu.sem_alloc : memref<!tpu.dma_semaphore, #tpu.memory_space<semaphore_mem>>
          %dma_start3A_24 = arith.constant 0 : i32
          %dma_start3A_25 = tpu.memref_slice %arg6[%mul3A_13, %dma_start3A_24] : memref<20000x128xi32, #tpu.memory_space<hbm>> -> memref<160x128xi32, #tpu.memory_space<hbm>>
          %dma_start3A_26 = arith.constant 0 : i32
          %dma_start3A_27 = tpu.memref_slice %arg6[%mul3A_13, %dma_start3A_26] : memref<20000x128xi32, #tpu.memory_space<hbm>> -> memref<160x128xi32, #tpu.memory_space<hbm>>
          tpu.enqueue_dma source(%arg10 : memref<160x128xi32, #tpu.memory_space<vmem>>) target(%dma_start3A_27 : memref<160x128xi32, #tpu.memory_space<hbm>>) target_semaphore(%run_scoped3A : memref<!tpu.dma_semaphore, #tpu.memory_space<semaphore_mem>>)
          %dma_wait3A_28 = arith.constant 0 : i32
          %dma_wait3A_29 = tpu.memref_slice %arg6[%mul3A_13, %dma_wait3A_28] : memref<20000x128xi32, #tpu.memory_space<hbm>> -> memref<160x128xi32, #tpu.memory_space<hbm>>
          %dma_wait3A_30 = arith.constant 0 : i32
          %dma_wait3A_31 = tpu.memref_slice %arg6[%mul3A_13, %dma_wait3A_30] : memref<20000x128xi32, #tpu.memory_space<hbm>> -> memref<160x128xi32, #tpu.memory_space<hbm>>
          tpu.wait_dma2 semaphore(%run_scoped3A : memref<!tpu.dma_semaphore, #tpu.memory_space<semaphore_mem>>) src(%arg10 : memref<160x128xi32, #tpu.memory_space<vmem>>) dst(%dma_wait3A_31 : memref<160x128xi32, #tpu.memory_space<hbm>>)
          tpu.yield
        }) : () -> ()
        %dma_wait3A_21 = arith.constant 0 : i32
        %dma_wait3A_22 = arith.constant 0 : i32
        %dma_wait3A_23 = tpu.memref_slice %arg5[%dma_wait3A_21, %dma_wait3A_22] : memref<50000x128xi32, #tpu.memory_space<hbm>> -> memref<50000x128xi32, #tpu.memory_space<hbm>>
        tpu.wait_indirect_dma semaphore(%arg13 : memref<!tpu.dma_semaphore, #tpu.memory_space<semaphore_mem>>) src(%dma_wait3A_23 : memref<50000x128xi32, #tpu.memory_space<hbm>>) dst(%arg11 : memref<160x128xi32, #tpu.memory_space<vmem>>)
        "tpu.region"() ({
          %run_scoped3A = tpu.sem_alloc : memref<!tpu.dma_semaphore, #tpu.memory_space<semaphore_mem>>
          %dma_start3A_24 = arith.constant 0 : i32
          %dma_start3A_25 = tpu.memref_slice %arg7[%mul3A_13, %dma_start3A_24] : memref<20000x128xi32, #tpu.memory_space<hbm>> -> memref<160x128xi32, #tpu.memory_space<hbm>>
          %dma_start3A_26 = arith.constant 0 : i32
          %dma_start3A_27 = tpu.memref_slice %arg7[%mul3A_13, %dma_start3A_26] : memref<20000x128xi32, #tpu.memory_space<hbm>> -> memref<160x128xi32, #tpu.memory_space<hbm>>
          tpu.enqueue_dma source(%arg11 : memref<160x128xi32, #tpu.memory_space<vmem>>) target(%dma_start3A_27 : memref<160x128xi32, #tpu.memory_space<hbm>>) target_semaphore(%run_scoped3A : memref<!tpu.dma_semaphore, #tpu.memory_space<semaphore_mem>>)
          %dma_wait3A_28 = arith.constant 0 : i32
          %dma_wait3A_29 = tpu.memref_slice %arg7[%mul3A_13, %dma_wait3A_28] : memref<20000x128xi32, #tpu.memory_space<hbm>> -> memref<160x128xi32, #tpu.memory_space<hbm>>
          %dma_wait3A_30 = arith.constant 0 : i32
          %dma_wait3A_31 = tpu.memref_slice %arg7[%mul3A_13, %dma_wait3A_30] : memref<20000x128xi32, #tpu.memory_space<hbm>> -> memref<160x128xi32, #tpu.memory_space<hbm>>
          tpu.wait_dma2 semaphore(%run_scoped3A : memref<!tpu.dma_semaphore, #tpu.memory_space<semaphore_mem>>) src(%arg11 : memref<160x128xi32, #tpu.memory_space<vmem>>) dst(%dma_wait3A_31 : memref<160x128xi32, #tpu.memory_space<hbm>>)
          tpu.yield
        }) : () -> ()
      } else {
      }
    }
    %scan3A_5 = arith.constant 4 : i32
    return
  }
}

#map = affine_map<(d0, d1) -> (0)>
#map1 = affine_map<(d0, d1) -> (0, 0)>
module attributes {stable_mosaic.version = 14 : i64} {
  func.func @gather2(%arg0: i32, %arg1: i32, %arg2: memref<20000xi32, #tpu.memory_space<hbm>>, %arg3: memref<20000xi32, #tpu.memory_space<hbm>>, %arg4: memref<50000x128xi32, #tpu.memory_space<hbm>>, %arg5: memref<50000x128xi32, #tpu.memory_space<hbm>>, %arg6: memref<20000x128xi32, #tpu.memory_space<hbm>>, %arg7: memref<20000x128xi32, #tpu.memory_space<hbm>>, %arg8: memref<160xi32, #tpu.memory_space<vmem>>, %arg9: memref<160xi32, #tpu.memory_space<vmem>>, %arg10: memref<160x128xi32, #tpu.memory_space<vmem>>, %arg11: memref<160x128xi32, #tpu.memory_space<vmem>>, %arg12: memref<!tpu.dma_semaphore, #tpu.memory_space<semaphore_mem>>, %arg13: memref<!tpu.dma_semaphore, #tpu.memory_space<semaphore_mem>>) attributes {dimension_semantics = [#tpu.dimension_semantics<core_parallel>, #tpu.dimension_semantics<subcore_parallel>], iteration_bounds = array<i64: 2, 16>, scalar_prefetch = 0 : i64, scratch_operands = 6 : i64, tpu.core_type = #tpu.core_type<sc_vector_subcore>, window_params = [{transform_indices = #map}, {transform_indices = #map}, {transform_indices = #map1}, {transform_indices = #map1}, {transform_indices = #map1}, {transform_indices = #map1}]} {
    %mul3A = arith.constant 2 : i32
    %mul3A_0 = arith.muli %arg1, %mul3A : i32
    %add3A = arith.addi %mul3A_0, %arg0 : i32
    %scan3A = arith.constant 0 : i32
    %scan3A_1 = arith.constant 0 : i32
    %scan3A_2 = arith.constant 4 : i32
    %scan3A_3 = arith.addi %scan3A_1, %scan3A_2 : i32
    %scan3A_4 = arith.constant 1 : i32
    scf.for %scan3A_6 = %scan3A_1 to %scan3A_3 step %scan3A_4  : i32 {
      %mul3A_7 = arith.constant 4 : i32
      %mul3A_8 = arith.muli %add3A, %mul3A_7 : i32
      %add3A_9 = arith.addi %mul3A_8, %scan3A_6 : i32
      %lt3A = arith.constant 125 : i32
      %lt3A_10 = arith.cmpi slt, %add3A_9, %lt3A : i32
      %convert_element_type3A = arith.extui %lt3A_10 : i1 to i32
      %cond3A = arith.constant 0 : i32
      %cond3A_11 = arith.cmpi ne, %convert_element_type3A, %cond3A : i32
      scf.if %cond3A_11 {
        %mul3A_12 = arith.constant 160 : i32
        %mul3A_13 = arith.muli %add3A_9, %mul3A_12 : i32
        "tpu.region"() ({
          %run_scoped3A = tpu.sem_alloc : memref<!tpu.dma_semaphore, #tpu.memory_space<semaphore_mem>>
          %dma_start3A_24 = tpu.memref_slice %arg2[%mul3A_13] : memref<20000xi32, #tpu.memory_space<hbm>> -> memref<160xi32, #tpu.memory_space<hbm>>
          %dma_start3A_25 = tpu.memref_slice %arg2[%mul3A_13] : memref<20000xi32, #tpu.memory_space<hbm>> -> memref<160xi32, #tpu.memory_space<hbm>>
          tpu.enqueue_dma source(%dma_start3A_25 : memref<160xi32, #tpu.memory_space<hbm>>) target(%arg8 : memref<160xi32, #tpu.memory_space<vmem>>) target_semaphore(%run_scoped3A : memref<!tpu.dma_semaphore, #tpu.memory_space<semaphore_mem>>)
          %dma_wait3A_26 = tpu.memref_slice %arg2[%mul3A_13] : memref<20000xi32, #tpu.memory_space<hbm>> -> memref<160xi32, #tpu.memory_space<hbm>>
          %dma_wait3A_27 = tpu.memref_slice %arg2[%mul3A_13] : memref<20000xi32, #tpu.memory_space<hbm>> -> memref<160xi32, #tpu.memory_space<hbm>>
          tpu.wait_dma2 semaphore(%run_scoped3A : memref<!tpu.dma_semaphore, #tpu.memory_space<semaphore_mem>>) src(%dma_wait3A_27 : memref<160xi32, #tpu.memory_space<hbm>>) dst(%arg8 : memref<160xi32, #tpu.memory_space<vmem>>)
          tpu.yield
        }) : () -> ()
        "tpu.region"() ({
          %run_scoped3A = tpu.sem_alloc : memref<!tpu.dma_semaphore, #tpu.memory_space<semaphore_mem>>
          %dma_start3A_24 = tpu.memref_slice %arg3[%mul3A_13] : memref<20000xi32, #tpu.memory_space<hbm>> -> memref<160xi32, #tpu.memory_space<hbm>>
          %dma_start3A_25 = tpu.memref_slice %arg3[%mul3A_13] : memref<20000xi32, #tpu.memory_space<hbm>> -> memref<160xi32, #tpu.memory_space<hbm>>
          tpu.enqueue_dma source(%dma_start3A_25 : memref<160xi32, #tpu.memory_space<hbm>>) target(%arg9 : memref<160xi32, #tpu.memory_space<vmem>>) target_semaphore(%run_scoped3A : memref<!tpu.dma_semaphore, #tpu.memory_space<semaphore_mem>>)
          %dma_wait3A_26 = tpu.memref_slice %arg3[%mul3A_13] : memref<20000xi32, #tpu.memory_space<hbm>> -> memref<160xi32, #tpu.memory_space<hbm>>
          %dma_wait3A_27 = tpu.memref_slice %arg3[%mul3A_13] : memref<20000xi32, #tpu.memory_space<hbm>> -> memref<160xi32, #tpu.memory_space<hbm>>
          tpu.wait_dma2 semaphore(%run_scoped3A : memref<!tpu.dma_semaphore, #tpu.memory_space<semaphore_mem>>) src(%dma_wait3A_27 : memref<160xi32, #tpu.memory_space<hbm>>) dst(%arg9 : memref<160xi32, #tpu.memory_space<vmem>>)
          tpu.yield
        }) : () -> ()
        %dma_start3A = arith.constant 0 : i32
        %dma_start3A_14 = arith.constant 0 : i32
        %dma_start3A_15 = tpu.memref_slice %arg4[%dma_start3A, %dma_start3A_14] : memref<50000x128xi32, #tpu.memory_space<hbm>> -> memref<50000x128xi32, #tpu.memory_space<hbm>>
        tpu.enqueue_indirect_dma source(%dma_start3A_15 : memref<50000x128xi32, #tpu.memory_space<hbm>>) target(%arg10 : memref<160x128xi32, #tpu.memory_space<vmem>>) offsets(%arg8 : memref<160xi32, #tpu.memory_space<vmem>>) semaphore(%arg12 : memref<!tpu.dma_semaphore, #tpu.memory_space<semaphore_mem>>)
        %dma_start3A_16 = arith.constant 0 : i32
        %dma_start3A_17 = arith.constant 0 : i32
        %dma_start3A_18 = tpu.memref_slice %arg5[%dma_start3A_16, %dma_start3A_17] : memref<50000x128xi32, #tpu.memory_space<hbm>> -> memref<50000x128xi32, #tpu.memory_space<hbm>>
        tpu.enqueue_indirect_dma source(%dma_start3A_18 : memref<50000x128xi32, #tpu.memory_space<hbm>>) target(%arg11 : memref<160x128xi32, #tpu.memory_space<vmem>>) offsets(%arg9 : memref<160xi32, #tpu.memory_space<vmem>>) semaphore(%arg13 : memref<!tpu.dma_semaphore, #tpu.memory_space<semaphore_mem>>)
        %dma_wait3A = arith.constant 0 : i32
        %dma_wait3A_19 = arith.constant 0 : i32
        %dma_wait3A_20 = tpu.memref_slice %arg4[%dma_wait3A, %dma_wait3A_19] : memref<50000x128xi32, #tpu.memory_space<hbm>> -> memref<50000x128xi32, #tpu.memory_space<hbm>>
        tpu.wait_indirect_dma semaphore(%arg12 : memref<!tpu.dma_semaphore, #tpu.memory_space<semaphore_mem>>) src(%dma_wait3A_20 : memref<50000x128xi32, #tpu.memory_space<hbm>>) dst(%arg10 : memref<160x128xi32, #tpu.memory_space<vmem>>)
        "tpu.region"() ({
          %run_scoped3A = tpu.sem_alloc : memref<!tpu.dma_semaphore, #tpu.memory_space<semaphore_mem>>
          %dma_start3A_24 = arith.constant 0 : i32
          %dma_start3A_25 = tpu.memref_slice %arg6[%mul3A_13, %dma_start3A_24] : memref<20000x128xi32, #tpu.memory_space<hbm>> -> memref<160x128xi32, #tpu.memory_space<hbm>>
          %dma_start3A_26 = arith.constant 0 : i32
          %dma_start3A_27 = tpu.memref_slice %arg6[%mul3A_13, %dma_start3A_26] : memref<20000x128xi32, #tpu.memory_space<hbm>> -> memref<160x128xi32, #tpu.memory_space<hbm>>
          tpu.enqueue_dma source(%arg10 : memref<160x128xi32, #tpu.memory_space<vmem>>) target(%dma_start3A_27 : memref<160x128xi32, #tpu.memory_space<hbm>>) target_semaphore(%run_scoped3A : memref<!tpu.dma_semaphore, #tpu.memory_space<semaphore_mem>>)
          %dma_wait3A_28 = arith.constant 0 : i32
          %dma_wait3A_29 = tpu.memref_slice %arg6[%mul3A_13, %dma_wait3A_28] : memref<20000x128xi32, #tpu.memory_space<hbm>> -> memref<160x128xi32, #tpu.memory_space<hbm>>
          %dma_wait3A_30 = arith.constant 0 : i32
          %dma_wait3A_31 = tpu.memref_slice %arg6[%mul3A_13, %dma_wait3A_30] : memref<20000x128xi32, #tpu.memory_space<hbm>> -> memref<160x128xi32, #tpu.memory_space<hbm>>
          tpu.wait_dma2 semaphore(%run_scoped3A : memref<!tpu.dma_semaphore, #tpu.memory_space<semaphore_mem>>) src(%arg10 : memref<160x128xi32, #tpu.memory_space<vmem>>) dst(%dma_wait3A_31 : memref<160x128xi32, #tpu.memory_space<hbm>>)
          tpu.yield
        }) : () -> ()
        %dma_wait3A_21 = arith.constant 0 : i32
        %dma_wait3A_22 = arith.constant 0 : i32
        %dma_wait3A_23 = tpu.memref_slice %arg5[%dma_wait3A_21, %dma_wait3A_22] : memref<50000x128xi32, #tpu.memory_space<hbm>> -> memref<50000x128xi32, #tpu.memory_space<hbm>>
        tpu.wait_indirect_dma semaphore(%arg13 : memref<!tpu.dma_semaphore, #tpu.memory_space<semaphore_mem>>) src(%dma_wait3A_23 : memref<50000x128xi32, #tpu.memory_space<hbm>>) dst(%arg11 : memref<160x128xi32, #tpu.memory_space<vmem>>)
        "tpu.region"() ({
          %run_scoped3A = tpu.sem_alloc : memref<!tpu.dma_semaphore, #tpu.memory_space<semaphore_mem>>
          %dma_start3A_24 = arith.constant 0 : i32
          %dma_start3A_25 = tpu.memref_slice %arg7[%mul3A_13, %dma_start3A_24] : memref<20000x128xi32, #tpu.memory_space<hbm>> -> memref<160x128xi32, #tpu.memory_space<hbm>>
          %dma_start3A_26 = arith.constant 0 : i32
          %dma_start3A_27 = tpu.memref_slice %arg7[%mul3A_13, %dma_start3A_26] : memref<20000x128xi32, #tpu.memory_space<hbm>> -> memref<160x128xi32, #tpu.memory_space<hbm>>
          tpu.enqueue_dma source(%arg11 : memref<160x128xi32, #tpu.memory_space<vmem>>) target(%dma_start3A_27 : memref<160x128xi32, #tpu.memory_space<hbm>>) target_semaphore(%run_scoped3A : memref<!tpu.dma_semaphore, #tpu.memory_space<semaphore_mem>>)
          %dma_wait3A_28 = arith.constant 0 : i32
          %dma_wait3A_29 = tpu.memref_slice %arg7[%mul3A_13, %dma_wait3A_28] : memref<20000x128xi32, #tpu.memory_space<hbm>> -> memref<160x128xi32, #tpu.memory_space<hbm>>
          %dma_wait3A_30 = arith.constant 0 : i32
          %dma_wait3A_31 = tpu.memref_slice %arg7[%mul3A_13, %dma_wait3A_30] : memref<20000x128xi32, #tpu.memory_space<hbm>> -> memref<160x128xi32, #tpu.memory_space<hbm>>
          tpu.wait_dma2 semaphore(%run_scoped3A : memref<!tpu.dma_semaphore, #tpu.memory_space<semaphore_mem>>) src(%arg11 : memref<160x128xi32, #tpu.memory_space<vmem>>) dst(%dma_wait3A_31 : memref<160x128xi32, #tpu.memory_space<hbm>>)
          tpu.yield
        }) : () -> ()
      } else {
      }
    }
    %scan3A_5 = arith.constant 4 : i32
    return
  }
}

#map = affine_map<(d0, d1) -> (0)>
#map1 = affine_map<(d0, d1) -> (0, 0)>
module attributes {stable_mosaic.version = 14 : i64} {
  func.func @gather2(%arg0: i32, %arg1: i32, %arg2: memref<20000xi32, #tpu.memory_space<hbm>>, %arg3: memref<20000xi32, #tpu.memory_space<hbm>>, %arg4: memref<50000x128xi32, #tpu.memory_space<hbm>>, %arg5: memref<50000x128xi32, #tpu.memory_space<hbm>>, %arg6: memref<20000x128xi32, #tpu.memory_space<hbm>>, %arg7: memref<20000x128xi32, #tpu.memory_space<hbm>>, %arg8: memref<160xi32, #tpu.memory_space<vmem>>, %arg9: memref<160xi32, #tpu.memory_space<vmem>>, %arg10: memref<160x128xi32, #tpu.memory_space<vmem>>, %arg11: memref<160x128xi32, #tpu.memory_space<vmem>>, %arg12: memref<!tpu.dma_semaphore, #tpu.memory_space<semaphore_mem>>, %arg13: memref<!tpu.dma_semaphore, #tpu.memory_space<semaphore_mem>>) attributes {dimension_semantics = [#tpu.dimension_semantics<core_parallel>, #tpu.dimension_semantics<subcore_parallel>], iteration_bounds = array<i64: 2, 16>, scalar_prefetch = 0 : i64, scratch_operands = 6 : i64, tpu.core_type = #tpu.core_type<sc_vector_subcore>, window_params = [{transform_indices = #map}, {transform_indices = #map}, {transform_indices = #map1}, {transform_indices = #map1}, {transform_indices = #map1}, {transform_indices = #map1}]} {
    %mul3A = arith.constant 2 : i32
    %mul3A_0 = arith.muli %arg1, %mul3A : i32
    %add3A = arith.addi %mul3A_0, %arg0 : i32
    %scan3A = arith.constant 0 : i32
    %scan3A_1 = arith.constant 0 : i32
    %scan3A_2 = arith.constant 4 : i32
    %scan3A_3 = arith.addi %scan3A_1, %scan3A_2 : i32
    %scan3A_4 = arith.constant 1 : i32
    scf.for %scan3A_6 = %scan3A_1 to %scan3A_3 step %scan3A_4  : i32 {
      %mul3A_7 = arith.constant 4 : i32
      %mul3A_8 = arith.muli %add3A, %mul3A_7 : i32
      %add3A_9 = arith.addi %mul3A_8, %scan3A_6 : i32
      %lt3A = arith.constant 125 : i32
      %lt3A_10 = arith.cmpi slt, %add3A_9, %lt3A : i32
      %convert_element_type3A = arith.extui %lt3A_10 : i1 to i32
      %cond3A = arith.constant 0 : i32
      %cond3A_11 = arith.cmpi ne, %convert_element_type3A, %cond3A : i32
      scf.if %cond3A_11 {
        %mul3A_12 = arith.constant 160 : i32
        %mul3A_13 = arith.muli %add3A_9, %mul3A_12 : i32
        "tpu.region"() ({
          %run_scoped3A = tpu.sem_alloc : memref<!tpu.dma_semaphore, #tpu.memory_space<semaphore_mem>>
          %dma_start3A_24 = tpu.memref_slice %arg2[%mul3A_13] : memref<20000xi32, #tpu.memory_space<hbm>> -> memref<160xi32, #tpu.memory_space<hbm>>
          %dma_start3A_25 = tpu.memref_slice %arg2[%mul3A_13] : memref<20000xi32, #tpu.memory_space<hbm>> -> memref<160xi32, #tpu.memory_space<hbm>>
          tpu.enqueue_dma source(%dma_start3A_25 : memref<160xi32, #tpu.memory_space<hbm>>) target(%arg8 : memref<160xi32, #tpu.memory_space<vmem>>) target_semaphore(%run_scoped3A : memref<!tpu.dma_semaphore, #tpu.memory_space<semaphore_mem>>)
          %dma_wait3A_26 = tpu.memref_slice %arg2[%mul3A_13] : memref<20000xi32, #tpu.memory_space<hbm>> -> memref<160xi32, #tpu.memory_space<hbm>>
          %dma_wait3A_27 = tpu.memref_slice %arg2[%mul3A_13] : memref<20000xi32, #tpu.memory_space<hbm>> -> memref<160xi32, #tpu.memory_space<hbm>>
          tpu.wait_dma2 semaphore(%run_scoped3A : memref<!tpu.dma_semaphore, #tpu.memory_space<semaphore_mem>>) src(%dma_wait3A_27 : memref<160xi32, #tpu.memory_space<hbm>>) dst(%arg8 : memref<160xi32, #tpu.memory_space<vmem>>)
          tpu.yield
        }) : () -> ()
        "tpu.region"() ({
          %run_scoped3A = tpu.sem_alloc : memref<!tpu.dma_semaphore, #tpu.memory_space<semaphore_mem>>
          %dma_start3A_24 = tpu.memref_slice %arg3[%mul3A_13] : memref<20000xi32, #tpu.memory_space<hbm>> -> memref<160xi32, #tpu.memory_space<hbm>>
          %dma_start3A_25 = tpu.memref_slice %arg3[%mul3A_13] : memref<20000xi32, #tpu.memory_space<hbm>> -> memref<160xi32, #tpu.memory_space<hbm>>
          tpu.enqueue_dma source(%dma_start3A_25 : memref<160xi32, #tpu.memory_space<hbm>>) target(%arg9 : memref<160xi32, #tpu.memory_space<vmem>>) target_semaphore(%run_scoped3A : memref<!tpu.dma_semaphore, #tpu.memory_space<semaphore_mem>>)
          %dma_wait3A_26 = tpu.memref_slice %arg3[%mul3A_13] : memref<20000xi32, #tpu.memory_space<hbm>> -> memref<160xi32, #tpu.memory_space<hbm>>
          %dma_wait3A_27 = tpu.memref_slice %arg3[%mul3A_13] : memref<20000xi32, #tpu.memory_space<hbm>> -> memref<160xi32, #tpu.memory_space<hbm>>
          tpu.wait_dma2 semaphore(%run_scoped3A : memref<!tpu.dma_semaphore, #tpu.memory_space<semaphore_mem>>) src(%dma_wait3A_27 : memref<160xi32, #tpu.memory_space<hbm>>) dst(%arg9 : memref<160xi32, #tpu.memory_space<vmem>>)
          tpu.yield
        }) : () -> ()
        %dma_start3A = arith.constant 0 : i32
        %dma_start3A_14 = arith.constant 0 : i32
        %dma_start3A_15 = tpu.memref_slice %arg4[%dma_start3A, %dma_start3A_14] : memref<50000x128xi32, #tpu.memory_space<hbm>> -> memref<50000x128xi32, #tpu.memory_space<hbm>>
        tpu.enqueue_indirect_dma source(%dma_start3A_15 : memref<50000x128xi32, #tpu.memory_space<hbm>>) target(%arg10 : memref<160x128xi32, #tpu.memory_space<vmem>>) offsets(%arg8 : memref<160xi32, #tpu.memory_space<vmem>>) semaphore(%arg12 : memref<!tpu.dma_semaphore, #tpu.memory_space<semaphore_mem>>)
        %dma_start3A_16 = arith.constant 0 : i32
        %dma_start3A_17 = arith.constant 0 : i32
        %dma_start3A_18 = tpu.memref_slice %arg5[%dma_start3A_16, %dma_start3A_17] : memref<50000x128xi32, #tpu.memory_space<hbm>> -> memref<50000x128xi32, #tpu.memory_space<hbm>>
        tpu.enqueue_indirect_dma source(%dma_start3A_18 : memref<50000x128xi32, #tpu.memory_space<hbm>>) target(%arg11 : memref<160x128xi32, #tpu.memory_space<vmem>>) offsets(%arg9 : memref<160xi32, #tpu.memory_space<vmem>>) semaphore(%arg13 : memref<!tpu.dma_semaphore, #tpu.memory_space<semaphore_mem>>)
        %dma_wait3A = arith.constant 0 : i32
        %dma_wait3A_19 = arith.constant 0 : i32
        %dma_wait3A_20 = tpu.memref_slice %arg4[%dma_wait3A, %dma_wait3A_19] : memref<50000x128xi32, #tpu.memory_space<hbm>> -> memref<50000x128xi32, #tpu.memory_space<hbm>>
        tpu.wait_indirect_dma semaphore(%arg12 : memref<!tpu.dma_semaphore, #tpu.memory_space<semaphore_mem>>) src(%dma_wait3A_20 : memref<50000x128xi32, #tpu.memory_space<hbm>>) dst(%arg10 : memref<160x128xi32, #tpu.memory_space<vmem>>)
        "tpu.region"() ({
          %run_scoped3A = tpu.sem_alloc : memref<!tpu.dma_semaphore, #tpu.memory_space<semaphore_mem>>
          %dma_start3A_24 = arith.constant 0 : i32
          %dma_start3A_25 = tpu.memref_slice %arg6[%mul3A_13, %dma_start3A_24] : memref<20000x128xi32, #tpu.memory_space<hbm>> -> memref<160x128xi32, #tpu.memory_space<hbm>>
          %dma_start3A_26 = arith.constant 0 : i32
          %dma_start3A_27 = tpu.memref_slice %arg6[%mul3A_13, %dma_start3A_26] : memref<20000x128xi32, #tpu.memory_space<hbm>> -> memref<160x128xi32, #tpu.memory_space<hbm>>
          tpu.enqueue_dma source(%arg10 : memref<160x128xi32, #tpu.memory_space<vmem>>) target(%dma_start3A_27 : memref<160x128xi32, #tpu.memory_space<hbm>>) target_semaphore(%run_scoped3A : memref<!tpu.dma_semaphore, #tpu.memory_space<semaphore_mem>>)
          %dma_wait3A_28 = arith.constant 0 : i32
          %dma_wait3A_29 = tpu.memref_slice %arg6[%mul3A_13, %dma_wait3A_28] : memref<20000x128xi32, #tpu.memory_space<hbm>> -> memref<160x128xi32, #tpu.memory_space<hbm>>
          %dma_wait3A_30 = arith.constant 0 : i32
          %dma_wait3A_31 = tpu.memref_slice %arg6[%mul3A_13, %dma_wait3A_30] : memref<20000x128xi32, #tpu.memory_space<hbm>> -> memref<160x128xi32, #tpu.memory_space<hbm>>
          tpu.wait_dma2 semaphore(%run_scoped3A : memref<!tpu.dma_semaphore, #tpu.memory_space<semaphore_mem>>) src(%arg10 : memref<160x128xi32, #tpu.memory_space<vmem>>) dst(%dma_wait3A_31 : memref<160x128xi32, #tpu.memory_space<hbm>>)
          tpu.yield
        }) : () -> ()
        %dma_wait3A_21 = arith.constant 0 : i32
        %dma_wait3A_22 = arith.constant 0 : i32
        %dma_wait3A_23 = tpu.memref_slice %arg5[%dma_wait3A_21, %dma_wait3A_22] : memref<50000x128xi32, #tpu.memory_space<hbm>> -> memref<50000x128xi32, #tpu.memory_space<hbm>>
        tpu.wait_indirect_dma semaphore(%arg13 : memref<!tpu.dma_semaphore, #tpu.memory_space<semaphore_mem>>) src(%dma_wait3A_23 : memref<50000x128xi32, #tpu.memory_space<hbm>>) dst(%arg11 : memref<160x128xi32, #tpu.memory_space<vmem>>)
        "tpu.region"() ({
          %run_scoped3A = tpu.sem_alloc : memref<!tpu.dma_semaphore, #tpu.memory_space<semaphore_mem>>
          %dma_start3A_24 = arith.constant 0 : i32
          %dma_start3A_25 = tpu.memref_slice %arg7[%mul3A_13, %dma_start3A_24] : memref<20000x128xi32, #tpu.memory_space<hbm>> -> memref<160x128xi32, #tpu.memory_space<hbm>>
          %dma_start3A_26 = arith.constant 0 : i32
          %dma_start3A_27 = tpu.memref_slice %arg7[%mul3A_13, %dma_start3A_26] : memref<20000x128xi32, #tpu.memory_space<hbm>> -> memref<160x128xi32, #tpu.memory_space<hbm>>
          tpu.enqueue_dma source(%arg11 : memref<160x128xi32, #tpu.memory_space<vmem>>) target(%dma_start3A_27 : memref<160x128xi32, #tpu.memory_space<hbm>>) target_semaphore(%run_scoped3A : memref<!tpu.dma_semaphore, #tpu.memory_space<semaphore_mem>>)
          %dma_wait3A_28 = arith.constant 0 : i32
          %dma_wait3A_29 = tpu.memref_slice %arg7[%mul3A_13, %dma_wait3A_28] : memref<20000x128xi32, #tpu.memory_space<hbm>> -> memref<160x128xi32, #tpu.memory_space<hbm>>
          %dma_wait3A_30 = arith.constant 0 : i32
          %dma_wait3A_31 = tpu.memref_slice %arg7[%mul3A_13, %dma_wait3A_30] : memref<20000x128xi32, #tpu.memory_space<hbm>> -> memref<160x128xi32, #tpu.memory_space<hbm>>
          tpu.wait_dma2 semaphore(%run_scoped3A : memref<!tpu.dma_semaphore, #tpu.memory_space<semaphore_mem>>) src(%arg11 : memref<160x128xi32, #tpu.memory_space<vmem>>) dst(%dma_wait3A_31 : memref<160x128xi32, #tpu.memory_space<hbm>>)
          tpu.yield
        }) : () -> ()
      } else {
      }
    }
    %scan3A_5 = arith.constant 4 : i32
    return
  }
}

#map = affine_map<(d0, d1) -> (0)>
#map1 = affine_map<(d0, d1) -> (0, 0)>
module attributes {stable_mosaic.version = 14 : i64} {
  func.func @gather2(%arg0: i32, %arg1: i32, %arg2: memref<20000xi32, #tpu.memory_space<hbm>>, %arg3: memref<20000xi32, #tpu.memory_space<hbm>>, %arg4: memref<50000x128xi32, #tpu.memory_space<hbm>>, %arg5: memref<50000x128xi32, #tpu.memory_space<hbm>>, %arg6: memref<20000x128xi32, #tpu.memory_space<hbm>>, %arg7: memref<20000x128xi32, #tpu.memory_space<hbm>>, %arg8: memref<160xi32, #tpu.memory_space<vmem>>, %arg9: memref<160xi32, #tpu.memory_space<vmem>>, %arg10: memref<160x128xi32, #tpu.memory_space<vmem>>, %arg11: memref<160x128xi32, #tpu.memory_space<vmem>>, %arg12: memref<!tpu.dma_semaphore, #tpu.memory_space<semaphore_mem>>, %arg13: memref<!tpu.dma_semaphore, #tpu.memory_space<semaphore_mem>>) attributes {dimension_semantics = [#tpu.dimension_semantics<core_parallel>, #tpu.dimension_semantics<subcore_parallel>], iteration_bounds = array<i64: 2, 16>, scalar_prefetch = 0 : i64, scratch_operands = 6 : i64, tpu.core_type = #tpu.core_type<sc_vector_subcore>, window_params = [{transform_indices = #map}, {transform_indices = #map}, {transform_indices = #map1}, {transform_indices = #map1}, {transform_indices = #map1}, {transform_indices = #map1}]} {
    %mul3A = arith.constant 2 : i32
    %mul3A_0 = arith.muli %arg1, %mul3A : i32
    %add3A = arith.addi %mul3A_0, %arg0 : i32
    %scan3A = arith.constant 0 : i32
    %scan3A_1 = arith.constant 0 : i32
    %scan3A_2 = arith.constant 4 : i32
    %scan3A_3 = arith.addi %scan3A_1, %scan3A_2 : i32
    %scan3A_4 = arith.constant 1 : i32
    scf.for %scan3A_6 = %scan3A_1 to %scan3A_3 step %scan3A_4  : i32 {
      %mul3A_7 = arith.constant 4 : i32
      %mul3A_8 = arith.muli %add3A, %mul3A_7 : i32
      %add3A_9 = arith.addi %mul3A_8, %scan3A_6 : i32
      %lt3A = arith.constant 125 : i32
      %lt3A_10 = arith.cmpi slt, %add3A_9, %lt3A : i32
      %convert_element_type3A = arith.extui %lt3A_10 : i1 to i32
      %cond3A = arith.constant 0 : i32
      %cond3A_11 = arith.cmpi ne, %convert_element_type3A, %cond3A : i32
      scf.if %cond3A_11 {
        %mul3A_12 = arith.constant 160 : i32
        %mul3A_13 = arith.muli %add3A_9, %mul3A_12 : i32
        "tpu.region"() ({
          %run_scoped3A = tpu.sem_alloc : memref<!tpu.dma_semaphore, #tpu.memory_space<semaphore_mem>>
          %dma_start3A_24 = tpu.memref_slice %arg2[%mul3A_13] : memref<20000xi32, #tpu.memory_space<hbm>> -> memref<160xi32, #tpu.memory_space<hbm>>
          %dma_start3A_25 = tpu.memref_slice %arg2[%mul3A_13] : memref<20000xi32, #tpu.memory_space<hbm>> -> memref<160xi32, #tpu.memory_space<hbm>>
          tpu.enqueue_dma source(%dma_start3A_25 : memref<160xi32, #tpu.memory_space<hbm>>) target(%arg8 : memref<160xi32, #tpu.memory_space<vmem>>) target_semaphore(%run_scoped3A : memref<!tpu.dma_semaphore, #tpu.memory_space<semaphore_mem>>)
          %dma_wait3A_26 = tpu.memref_slice %arg2[%mul3A_13] : memref<20000xi32, #tpu.memory_space<hbm>> -> memref<160xi32, #tpu.memory_space<hbm>>
          %dma_wait3A_27 = tpu.memref_slice %arg2[%mul3A_13] : memref<20000xi32, #tpu.memory_space<hbm>> -> memref<160xi32, #tpu.memory_space<hbm>>
          tpu.wait_dma2 semaphore(%run_scoped3A : memref<!tpu.dma_semaphore, #tpu.memory_space<semaphore_mem>>) src(%dma_wait3A_27 : memref<160xi32, #tpu.memory_space<hbm>>) dst(%arg8 : memref<160xi32, #tpu.memory_space<vmem>>)
          tpu.yield
        }) : () -> ()
        "tpu.region"() ({
          %run_scoped3A = tpu.sem_alloc : memref<!tpu.dma_semaphore, #tpu.memory_space<semaphore_mem>>
          %dma_start3A_24 = tpu.memref_slice %arg3[%mul3A_13] : memref<20000xi32, #tpu.memory_space<hbm>> -> memref<160xi32, #tpu.memory_space<hbm>>
          %dma_start3A_25 = tpu.memref_slice %arg3[%mul3A_13] : memref<20000xi32, #tpu.memory_space<hbm>> -> memref<160xi32, #tpu.memory_space<hbm>>
          tpu.enqueue_dma source(%dma_start3A_25 : memref<160xi32, #tpu.memory_space<hbm>>) target(%arg9 : memref<160xi32, #tpu.memory_space<vmem>>) target_semaphore(%run_scoped3A : memref<!tpu.dma_semaphore, #tpu.memory_space<semaphore_mem>>)
          %dma_wait3A_26 = tpu.memref_slice %arg3[%mul3A_13] : memref<20000xi32, #tpu.memory_space<hbm>> -> memref<160xi32, #tpu.memory_space<hbm>>
          %dma_wait3A_27 = tpu.memref_slice %arg3[%mul3A_13] : memref<20000xi32, #tpu.memory_space<hbm>> -> memref<160xi32, #tpu.memory_space<hbm>>
          tpu.wait_dma2 semaphore(%run_scoped3A : memref<!tpu.dma_semaphore, #tpu.memory_space<semaphore_mem>>) src(%dma_wait3A_27 : memref<160xi32, #tpu.memory_space<hbm>>) dst(%arg9 : memref<160xi32, #tpu.memory_space<vmem>>)
          tpu.yield
        }) : () -> ()
        %dma_start3A = arith.constant 0 : i32
        %dma_start3A_14 = arith.constant 0 : i32
        %dma_start3A_15 = tpu.memref_slice %arg4[%dma_start3A, %dma_start3A_14] : memref<50000x128xi32, #tpu.memory_space<hbm>> -> memref<50000x128xi32, #tpu.memory_space<hbm>>
        tpu.enqueue_indirect_dma source(%dma_start3A_15 : memref<50000x128xi32, #tpu.memory_space<hbm>>) target(%arg10 : memref<160x128xi32, #tpu.memory_space<vmem>>) offsets(%arg8 : memref<160xi32, #tpu.memory_space<vmem>>) semaphore(%arg12 : memref<!tpu.dma_semaphore, #tpu.memory_space<semaphore_mem>>)
        %dma_start3A_16 = arith.constant 0 : i32
        %dma_start3A_17 = arith.constant 0 : i32
        %dma_start3A_18 = tpu.memref_slice %arg5[%dma_start3A_16, %dma_start3A_17] : memref<50000x128xi32, #tpu.memory_space<hbm>> -> memref<50000x128xi32, #tpu.memory_space<hbm>>
        tpu.enqueue_indirect_dma source(%dma_start3A_18 : memref<50000x128xi32, #tpu.memory_space<hbm>>) target(%arg11 : memref<160x128xi32, #tpu.memory_space<vmem>>) offsets(%arg9 : memref<160xi32, #tpu.memory_space<vmem>>) semaphore(%arg13 : memref<!tpu.dma_semaphore, #tpu.memory_space<semaphore_mem>>)
        %dma_wait3A = arith.constant 0 : i32
        %dma_wait3A_19 = arith.constant 0 : i32
        %dma_wait3A_20 = tpu.memref_slice %arg4[%dma_wait3A, %dma_wait3A_19] : memref<50000x128xi32, #tpu.memory_space<hbm>> -> memref<50000x128xi32, #tpu.memory_space<hbm>>
        tpu.wait_indirect_dma semaphore(%arg12 : memref<!tpu.dma_semaphore, #tpu.memory_space<semaphore_mem>>) src(%dma_wait3A_20 : memref<50000x128xi32, #tpu.memory_space<hbm>>) dst(%arg10 : memref<160x128xi32, #tpu.memory_space<vmem>>)
        "tpu.region"() ({
          %run_scoped3A = tpu.sem_alloc : memref<!tpu.dma_semaphore, #tpu.memory_space<semaphore_mem>>
          %dma_start3A_24 = arith.constant 0 : i32
          %dma_start3A_25 = tpu.memref_slice %arg6[%mul3A_13, %dma_start3A_24] : memref<20000x128xi32, #tpu.memory_space<hbm>> -> memref<160x128xi32, #tpu.memory_space<hbm>>
          %dma_start3A_26 = arith.constant 0 : i32
          %dma_start3A_27 = tpu.memref_slice %arg6[%mul3A_13, %dma_start3A_26] : memref<20000x128xi32, #tpu.memory_space<hbm>> -> memref<160x128xi32, #tpu.memory_space<hbm>>
          tpu.enqueue_dma source(%arg10 : memref<160x128xi32, #tpu.memory_space<vmem>>) target(%dma_start3A_27 : memref<160x128xi32, #tpu.memory_space<hbm>>) target_semaphore(%run_scoped3A : memref<!tpu.dma_semaphore, #tpu.memory_space<semaphore_mem>>)
          %dma_wait3A_28 = arith.constant 0 : i32
          %dma_wait3A_29 = tpu.memref_slice %arg6[%mul3A_13, %dma_wait3A_28] : memref<20000x128xi32, #tpu.memory_space<hbm>> -> memref<160x128xi32, #tpu.memory_space<hbm>>
          %dma_wait3A_30 = arith.constant 0 : i32
          %dma_wait3A_31 = tpu.memref_slice %arg6[%mul3A_13, %dma_wait3A_30] : memref<20000x128xi32, #tpu.memory_space<hbm>> -> memref<160x128xi32, #tpu.memory_space<hbm>>
          tpu.wait_dma2 semaphore(%run_scoped3A : memref<!tpu.dma_semaphore, #tpu.memory_space<semaphore_mem>>) src(%arg10 : memref<160x128xi32, #tpu.memory_space<vmem>>) dst(%dma_wait3A_31 : memref<160x128xi32, #tpu.memory_space<hbm>>)
          tpu.yield
        }) : () -> ()
        %dma_wait3A_21 = arith.constant 0 : i32
        %dma_wait3A_22 = arith.constant 0 : i32
        %dma_wait3A_23 = tpu.memref_slice %arg5[%dma_wait3A_21, %dma_wait3A_22] : memref<50000x128xi32, #tpu.memory_space<hbm>> -> memref<50000x128xi32, #tpu.memory_space<hbm>>
        tpu.wait_indirect_dma semaphore(%arg13 : memref<!tpu.dma_semaphore, #tpu.memory_space<semaphore_mem>>) src(%dma_wait3A_23 : memref<50000x128xi32, #tpu.memory_space<hbm>>) dst(%arg11 : memref<160x128xi32, #tpu.memory_space<vmem>>)
        "tpu.region"() ({
          %run_scoped3A = tpu.sem_alloc : memref<!tpu.dma_semaphore, #tpu.memory_space<semaphore_mem>>
          %dma_start3A_24 = arith.constant 0 : i32
          %dma_start3A_25 = tpu.memref_slice %arg7[%mul3A_13, %dma_start3A_24] : memref<20000x128xi32, #tpu.memory_space<hbm>> -> memref<160x128xi32, #tpu.memory_space<hbm>>
          %dma_start3A_26 = arith.constant 0 : i32
          %dma_start3A_27 = tpu.memref_slice %arg7[%mul3A_13, %dma_start3A_26] : memref<20000x128xi32, #tpu.memory_space<hbm>> -> memref<160x128xi32, #tpu.memory_space<hbm>>
          tpu.enqueue_dma source(%arg11 : memref<160x128xi32, #tpu.memory_space<vmem>>) target(%dma_start3A_27 : memref<160x128xi32, #tpu.memory_space<hbm>>) target_semaphore(%run_scoped3A : memref<!tpu.dma_semaphore, #tpu.memory_space<semaphore_mem>>)
          %dma_wait3A_28 = arith.constant 0 : i32
          %dma_wait3A_29 = tpu.memref_slice %arg7[%mul3A_13, %dma_wait3A_28] : memref<20000x128xi32, #tpu.memory_space<hbm>> -> memref<160x128xi32, #tpu.memory_space<hbm>>
          %dma_wait3A_30 = arith.constant 0 : i32
          %dma_wait3A_31 = tpu.memref_slice %arg7[%mul3A_13, %dma_wait3A_30] : memref<20000x128xi32, #tpu.memory_space<hbm>> -> memref<160x128xi32, #tpu.memory_space<hbm>>
          tpu.wait_dma2 semaphore(%run_scoped3A : memref<!tpu.dma_semaphore, #tpu.memory_space<semaphore_mem>>) src(%arg11 : memref<160x128xi32, #tpu.memory_space<vmem>>) dst(%dma_wait3A_31 : memref<160x128xi32, #tpu.memory_space<hbm>>)
          tpu.yield
        }) : () -> ()
      } else {
      }
    }
    %scan3A_5 = arith.constant 4 : i32
    return
  }
}

module attributes {stable_mosaic.version = 14 : i64} {
  func.func @_mlp_core(%arg0: i32, %arg1: memref<5000x128xi32, #tpu.memory_space<vmem>>, %arg2: memref<5000x128xi32, #tpu.memory_space<vmem>>, %arg3: memref<256x256xf32, #tpu.memory_space<vmem>>, %arg4: memref<256x256xf32, #tpu.memory_space<vmem>>, %arg5: memref<1x256xf32, #tpu.memory_space<vmem>>, %arg6: memref<256x256xf32, #tpu.memory_space<vmem>>, %arg7: memref<1x256xf32, #tpu.memory_space<vmem>>, %arg8: memref<1x256xf32, #tpu.memory_space<vmem>>, %arg9: memref<1x1xf32, #tpu.memory_space<vmem>>, %arg10: memref<1x1x5000xf32, #tpu.memory_space<vmem>>) attributes {dimension_semantics = [#tpu.dimension_semantics<arbitrary>], iteration_bounds = array<i64: 4>, scalar_prefetch = 0 : i64, scratch_operands = 0 : i64, tpu.core_type = #tpu.core_type<tc>, window_params = [{transform_indices = @transform_0, window_bounds = array<i64: 5000, 128>}, {transform_indices = @transform_1, window_bounds = array<i64: 5000, 128>}, {pipeline_mode = #tpu.pipeline_mode<synchronous>, transform_indices = @transform_2, window_bounds = array<i64: 256, 256>}, {pipeline_mode = #tpu.pipeline_mode<synchronous>, transform_indices = @transform_3, window_bounds = array<i64: 256, 256>}, {pipeline_mode = #tpu.pipeline_mode<synchronous>, transform_indices = @transform_4, window_bounds = array<i64: 1, 256>}, {pipeline_mode = #tpu.pipeline_mode<synchronous>, transform_indices = @transform_5, window_bounds = array<i64: 256, 256>}, {pipeline_mode = #tpu.pipeline_mode<synchronous>, transform_indices = @transform_6, window_bounds = array<i64: 1, 256>}, {pipeline_mode = #tpu.pipeline_mode<synchronous>, transform_indices = @transform_7, window_bounds = array<i64: 1, 256>}, {pipeline_mode = #tpu.pipeline_mode<synchronous>, transform_indices = @transform_8, window_bounds = array<i64: 1, 1>}, {transform_indices = @transform_9, window_bounds = array<i64: 1, 1, 5000>}]} {
    %get3A = arith.constant 0 : index
    %get3A_0 = arith.constant 0 : index
    %get3A_1 = vector.load %arg1[%get3A, %get3A_0] : memref<5000x128xi32, #tpu.memory_space<vmem>>, vector<5000x128xi32>
    %bitcast_convert_type3A = tpu.bitcast %get3A_1 : vector<5000x128xi32> -> vector<5000x128xi32>
    %shift_left3A = arith.constant 16 : i32
    %shift_left3A_2 = vector.broadcast %shift_left3A : i32 to vector<5000x128xi32>
    %shift_left3A_3 = arith.shli %bitcast_convert_type3A, %shift_left3A_2 : vector<5000x128xi32>
    %bitcast_convert_type3A_4 = tpu.bitcast %shift_left3A_3 : vector<5000x128xi32> -> vector<5000x128xf32>
    %and3A = arith.constant -65536 : i32
    %and3A_5 = vector.broadcast %and3A : i32 to vector<5000x128xi32>
    %and3A_6 = arith.andi %bitcast_convert_type3A, %and3A_5 : vector<5000x128xi32>
    %bitcast_convert_type3A_7 = tpu.bitcast %and3A_6 : vector<5000x128xi32> -> vector<5000x128xf32>
    %convert_element_type3A = arith.truncf %bitcast_convert_type3A_4 : vector<5000x128xf32> to vector<5000x128xbf16>
    %convert_element_type3A_8 = arith.truncf %bitcast_convert_type3A_7 : vector<5000x128xf32> to vector<5000x128xbf16>
    %concatenate3A = tpu.concatenate %convert_element_type3A, %convert_element_type3A_8 in 1 : vector<5000x128xbf16>, vector<5000x128xbf16> -> vector<5000x256xbf16>
    %get3A_9 = arith.constant 0 : index
    %get3A_10 = arith.constant 0 : index
    %get3A_11 = vector.load %arg2[%get3A_9, %get3A_10] : memref<5000x128xi32, #tpu.memory_space<vmem>>, vector<5000x128xi32>
    %bitcast_convert_type3A_12 = tpu.bitcast %get3A_11 : vector<5000x128xi32> -> vector<5000x128xi32>
    %shift_left3A_13 = arith.constant 16 : i32
    %shift_left3A_14 = vector.broadcast %shift_left3A_13 : i32 to vector<5000x128xi32>
    %shift_left3A_15 = arith.shli %bitcast_convert_type3A_12, %shift_left3A_14 : vector<5000x128xi32>
    %bitcast_convert_type3A_16 = tpu.bitcast %shift_left3A_15 : vector<5000x128xi32> -> vector<5000x128xf32>
    %and3A_17 = arith.constant -65536 : i32
    %and3A_18 = vector.broadcast %and3A_17 : i32 to vector<5000x128xi32>
    %and3A_19 = arith.andi %bitcast_convert_type3A_12, %and3A_18 : vector<5000x128xi32>
    %bitcast_convert_type3A_20 = tpu.bitcast %and3A_19 : vector<5000x128xi32> -> vector<5000x128xf32>
    %convert_element_type3A_21 = arith.truncf %bitcast_convert_type3A_16 : vector<5000x128xf32> to vector<5000x128xbf16>
    %convert_element_type3A_22 = arith.truncf %bitcast_convert_type3A_20 : vector<5000x128xf32> to vector<5000x128xbf16>
    %concatenate3A_23 = tpu.concatenate %convert_element_type3A_21, %convert_element_type3A_22 in 1 : vector<5000x128xbf16>, vector<5000x128xbf16> -> vector<5000x256xbf16>
    %get3A_24 = arith.constant 0 : index
    %get3A_25 = arith.constant 0 : index
    %get3A_26 = vector.load %arg3[%get3A_24, %get3A_25] : memref<256x256xf32, #tpu.memory_space<vmem>>, vector<256x256xf32>
    %convert_element_type3A_27 = arith.truncf %get3A_26 : vector<256x256xf32> to vector<256x256xbf16>
    %dot_general3A = arith.constant dense<0.000000e+00> : vector<5000x256xf32>
    %dot_general3A_28 = tpu.matmul %concatenate3A, %convert_element_type3A_27, %dot_general3A {dimension_numbers = #tpu.dot_dimension_numbers<[1], [0], [0], [1], [0, 0, 1, 1], [], []>, transpose_lhs_hint = false} : vector<5000x256xbf16>, vector<256x256xbf16>, vector<5000x256xf32> -> vector<5000x256xf32>
    %get3A_29 = arith.constant 0 : index
    %get3A_30 = arith.constant 0 : index
    %get3A_31 = vector.load %arg4[%get3A_29, %get3A_30] : memref<256x256xf32, #tpu.memory_space<vmem>>, vector<256x256xf32>
    %convert_element_type3A_32 = arith.truncf %get3A_31 : vector<256x256xf32> to vector<256x256xbf16>
    %dot_general3A_33 = arith.constant dense<0.000000e+00> : vector<5000x256xf32>
    %dot_general3A_34 = tpu.matmul %concatenate3A_23, %convert_element_type3A_32, %dot_general3A_33 {dimension_numbers = #tpu.dot_dimension_numbers<[1], [0], [0], [1], [0, 0, 1, 1], [], []>, transpose_lhs_hint = false} : vector<5000x256xbf16>, vector<256x256xbf16>, vector<5000x256xf32> -> vector<5000x256xf32>
    %add3A = arith.addf %dot_general3A_28, %dot_general3A_34 : vector<5000x256xf32>
    %get3A_35 = arith.constant 0 : index
    %get3A_36 = arith.constant 0 : index
    %get3A_37 = vector.load %arg5[%get3A_35, %get3A_36] : memref<1x256xf32, #tpu.memory_space<vmem>>, vector<1x256xf32>
    %add3A_38 = vector.broadcast %get3A_37 : vector<1x256xf32> to vector<5000x256xf32>
    %add3A_39 = arith.addf %add3A, %add3A_38 : vector<5000x256xf32>
    %max3A = arith.constant 0.000000e+00 : f32
    %max3A_40 = vector.broadcast %max3A : f32 to vector<5000x256xf32>
    %max3A_41 = arith.maximumf %add3A_39, %max3A_40 : vector<5000x256xf32>
    %convert_element_type3A_42 = arith.truncf %max3A_41 : vector<5000x256xf32> to vector<5000x256xbf16>
    %get3A_43 = arith.constant 0 : index
    %get3A_44 = arith.constant 0 : index
    %get3A_45 = vector.load %arg6[%get3A_43, %get3A_44] : memref<256x256xf32, #tpu.memory_space<vmem>>, vector<256x256xf32>
    %convert_element_type3A_46 = arith.truncf %get3A_45 : vector<256x256xf32> to vector<256x256xbf16>
    %dot_general3A_47 = arith.constant dense<0.000000e+00> : vector<5000x256xf32>
    %dot_general3A_48 = tpu.matmul %convert_element_type3A_42, %convert_element_type3A_46, %dot_general3A_47 {dimension_numbers = #tpu.dot_dimension_numbers<[1], [0], [0], [1], [0, 0, 1, 1], [], []>, transpose_lhs_hint = false} : vector<5000x256xbf16>, vector<256x256xbf16>, vector<5000x256xf32> -> vector<5000x256xf32>
    %get3A_49 = arith.constant 0 : index
    %get3A_50 = arith.constant 0 : index
    %get3A_51 = vector.load %arg7[%get3A_49, %get3A_50] : memref<1x256xf32, #tpu.memory_space<vmem>>, vector<1x256xf32>
    %add3A_52 = vector.broadcast %get3A_51 : vector<1x256xf32> to vector<5000x256xf32>
    %add3A_53 = arith.addf %dot_general3A_48, %add3A_52 : vector<5000x256xf32>
    %max3A_54 = arith.constant 0.000000e+00 : f32
    %max3A_55 = vector.broadcast %max3A_54 : f32 to vector<5000x256xf32>
    %max3A_56 = arith.maximumf %add3A_53, %max3A_55 : vector<5000x256xf32>
    %get3A_57 = arith.constant 0 : index
    %get3A_58 = arith.constant 0 : index
    %get3A_59 = vector.load %arg8[%get3A_57, %get3A_58] : memref<1x256xf32, #tpu.memory_space<vmem>>, vector<1x256xf32>
    %convert_element_type3A_60 = arith.truncf %get3A_59 : vector<1x256xf32> to vector<1x256xbf16>
    %convert_element_type3A_61 = arith.truncf %max3A_56 : vector<5000x256xf32> to vector<5000x256xbf16>
    %dot_general3A_62 = arith.constant dense<0.000000e+00> : vector<1x5000xf32>
    %dot_general3A_63 = tpu.matmul %convert_element_type3A_60, %convert_element_type3A_61, %dot_general3A_62 {dimension_numbers = #tpu.dot_dimension_numbers<[1], [1], [0], [0], [0, 0, 1, 0], [], []>, transpose_lhs_hint = false} : vector<1x256xbf16>, vector<5000x256xbf16>, vector<1x5000xf32> -> vector<1x5000xf32>
    %get3A_64 = arith.constant 0 : index
    %get3A_65 = arith.constant 0 : index
    %get3A_66 = vector.load %arg9[%get3A_64, %get3A_65] : memref<1x1xf32, #tpu.memory_space<vmem>>, vector<1x1xf32>
    %add3A_67 = vector.broadcast %get3A_66 : vector<1x1xf32> to vector<1x5000xf32>
    %add3A_68 = arith.addf %dot_general3A_63, %add3A_67 : vector<1x5000xf32>
    %broadcast_in_dim3A = vector.shape_cast %add3A_68 : vector<1x5000xf32> to vector<1x1x5000xf32>
    %swap3A = arith.constant 0 : index
    %swap3A_69 = arith.constant 0 : index
    %swap3A_70 = arith.constant 0 : index
    %swap3A_71 = vector.load %arg10[%swap3A, %swap3A_69, %swap3A_70] : memref<1x1x5000xf32, #tpu.memory_space<vmem>>, vector<1x1x5000xf32>
    tpu.vector_store %arg10[%swap3A, %swap3A_69, %swap3A_70], %broadcast_in_dim3A {strides = array<i32>} : memref<1x1x5000xf32, #tpu.memory_space<vmem>>, vector<1x1x5000xf32>,
    return
  }
  func.func @transform_0(%arg0: i32) -> (i32, i32) {
    %c0_i32 = arith.constant 0 : i32
    %c0_i32_0 = arith.constant 0 : i32
    return %arg0, %c0_i32 : i32, i32
  }
  func.func @transform_1(%arg0: i32) -> (i32, i32) {
    %c0_i32 = arith.constant 0 : i32
    %c0_i32_0 = arith.constant 0 : i32
    return %arg0, %c0_i32 : i32, i32
  }
  func.func @transform_2(%arg0: i32) -> (i32, i32) {
    %c0_i32 = arith.constant 0 : i32
    %c0_i32_0 = arith.constant 0 : i32
    %c0_i32_1 = arith.constant 0 : i32
    return %c0_i32, %c0_i32_0 : i32, i32
  }
  func.func @transform_3(%arg0: i32) -> (i32, i32) {
    %c0_i32 = arith.constant 0 : i32
    %c0_i32_0 = arith.constant 0 : i32
    %c0_i32_1 = arith.constant 0 : i32
    return %c0_i32, %c0_i32_0 : i32, i32
  }
  func.func @transform_4(%arg0: i32) -> (i32, i32) {
    %c0_i32 = arith.constant 0 : i32
    %c0_i32_0 = arith.constant 0 : i32
    %c0_i32_1 = arith.constant 0 : i32
    return %c0_i32, %c0_i32_0 : i32, i32
  }
  func.func @transform_5(%arg0: i32) -> (i32, i32) {
    %c0_i32 = arith.constant 0 : i32
    %c0_i32_0 = arith.constant 0 : i32
    %c0_i32_1 = arith.constant 0 : i32
    return %c0_i32, %c0_i32_0 : i32, i32
  }
  func.func @transform_6(%arg0: i32) -> (i32, i32) {
    %c0_i32 = arith.constant 0 : i32
    %c0_i32_0 = arith.constant 0 : i32
    %c0_i32_1 = arith.constant 0 : i32
    return %c0_i32, %c0_i32_0 : i32, i32
  }
  func.func @transform_7(%arg0: i32) -> (i32, i32) {
    %c0_i32 = arith.constant 0 : i32
    %c0_i32_0 = arith.constant 0 : i32
    %c0_i32_1 = arith.constant 0 : i32
    return %c0_i32, %c0_i32_0 : i32, i32
  }
  func.func @transform_8(%arg0: i32) -> (i32, i32) {
    %c0_i32 = arith.constant 0 : i32
    %c0_i32_0 = arith.constant 0 : i32
    %c0_i32_1 = arith.constant 0 : i32
    return %c0_i32, %c0_i32_0 : i32, i32
  }
  func.func @transform_9(%arg0: i32) -> (i32, i32, i32) {
    %c0_i32 = arith.constant 0 : i32
    %c0_i32_0 = arith.constant 0 : i32
    %c0_i32_1 = arith.constant 0 : i32
    return %arg0, %c0_i32, %c0_i32_0 : i32, i32, i32
  }
}

module attributes {stable_mosaic.version = 14 : i64} {
  func.func @_castcopy_body(%arg0: i32, %arg1: memref<2000x256xf32, #tpu.memory_space<vmem>>, %arg2: memref<2000x256xf32, #tpu.memory_space<vmem>>, %arg3: memref<2000x128xi32, #tpu.memory_space<vmem>>) attributes {dimension_semantics = [#tpu.dimension_semantics<arbitrary>], iteration_bounds = array<i64: 25>, scalar_prefetch = 0 : i64, scratch_operands = 0 : i64, tpu.core_type = #tpu.core_type<tc>, window_params = [{transform_indices = @transform_0, window_bounds = array<i64: 2000, 256>}, {transform_indices = @transform_1, window_bounds = array<i64: 2000, 256>}, {transform_indices = @transform_2, window_bounds = array<i64: 2000, 128>}]} {
    %get3A = arith.constant 0 : index
    %get3A_0 = arith.constant 0 : index
    %get3A_1 = vector.load %arg1[%get3A, %get3A_0] : memref<2000x256xf32, #tpu.memory_space<vmem>>, vector<2000x256xf32>
    %swap3A = arith.constant 0 : index
    %swap3A_2 = arith.constant 0 : index
    %swap3A_3 = vector.load %arg2[%swap3A, %swap3A_2] : memref<2000x256xf32, #tpu.memory_space<vmem>>, vector<2000x256xf32>
    tpu.vector_store %arg2[%swap3A, %swap3A_2], %get3A_1 {strides = array<i32>} : memref<2000x256xf32, #tpu.memory_space<vmem>>, vector<2000x256xf32>,
    %slice3A = vector.extract_strided_slice %get3A_1 {offsets = [0, 0], sizes = [2000, 128], strides = [1, 1]} : vector<2000x256xf32> to vector<2000x128xf32>
    %bitcast_convert_type3A = tpu.bitcast %slice3A : vector<2000x128xf32> -> vector<2000x128xi32>
    %slice3A_4 = vector.extract_strided_slice %get3A_1 {offsets = [0, 128], sizes = [2000, 128], strides = [1, 1]} : vector<2000x256xf32> to vector<2000x128xf32>
    %bitcast_convert_type3A_5 = tpu.bitcast %slice3A_4 : vector<2000x128xf32> -> vector<2000x128xi32>
    %add3A = arith.constant 32767 : i32
    %add3A_6 = vector.broadcast %add3A : i32 to vector<2000x128xi32>
    %add3A_7 = arith.addi %bitcast_convert_type3A, %add3A_6 : vector<2000x128xi32>
    %shift_right_logical3A = arith.constant 16 : i32
    %shift_right_logical3A_8 = vector.broadcast %shift_right_logical3A : i32 to vector<2000x128xi32>
    %shift_right_logical3A_9 = arith.shrui %bitcast_convert_type3A, %shift_right_logical3A_8 : vector<2000x128xi32>
    %and3A = arith.constant 1 : i32
    %and3A_10 = vector.broadcast %and3A : i32 to vector<2000x128xi32>
    %and3A_11 = arith.andi %shift_right_logical3A_9, %and3A_10 : vector<2000x128xi32>
    %add3A_12 = arith.addi %add3A_7, %and3A_11 : vector<2000x128xi32>
    %shift_right_logical3A_13 = arith.constant 16 : i32
    %shift_right_logical3A_14 = vector.broadcast %shift_right_logical3A_13 : i32 to vector<2000x128xi32>
    %shift_right_logical3A_15 = arith.shrui %add3A_12, %shift_right_logical3A_14 : vector<2000x128xi32>
    %add3A_16 = arith.constant 32767 : i32
    %add3A_17 = vector.broadcast %add3A_16 : i32 to vector<2000x128xi32>
    %add3A_18 = arith.addi %bitcast_convert_type3A_5, %add3A_17 : vector<2000x128xi32>
    %shift_right_logical3A_19 = arith.constant 16 : i32
    %shift_right_logical3A_20 = vector.broadcast %shift_right_logical3A_19 : i32 to vector<2000x128xi32>
    %shift_right_logical3A_21 = arith.shrui %bitcast_convert_type3A_5, %shift_right_logical3A_20 : vector<2000x128xi32>
    %and3A_22 = arith.constant 1 : i32
    %and3A_23 = vector.broadcast %and3A_22 : i32 to vector<2000x128xi32>
    %and3A_24 = arith.andi %shift_right_logical3A_21, %and3A_23 : vector<2000x128xi32>
    %add3A_25 = arith.addi %add3A_18, %and3A_24 : vector<2000x128xi32>
    %and3A_26 = arith.constant -65536 : i32
    %and3A_27 = vector.broadcast %and3A_26 : i32 to vector<2000x128xi32>
    %and3A_28 = arith.andi %add3A_25, %and3A_27 : vector<2000x128xi32>
    %or3A = arith.ori %shift_right_logical3A_15, %and3A_28 : vector<2000x128xi32>
    %bitcast_convert_type3A_29 = tpu.bitcast %or3A : vector<2000x128xi32> -> vector<2000x128xi32>
    %swap3A_30 = arith.constant 0 : index
    %swap3A_31 = arith.constant 0 : index
    %swap3A_32 = vector.load %arg3[%swap3A_30, %swap3A_31] : memref<2000x128xi32, #tpu.memory_space<vmem>>, vector<2000x128xi32>
    tpu.vector_store %arg3[%swap3A_30, %swap3A_31], %bitcast_convert_type3A_29 {strides = array<i32>} : memref<2000x128xi32, #tpu.memory_space<vmem>>, vector<2000x128xi32>,
    return
  }
  func.func @transform_0(%arg0: i32) -> (i32, i32) {
    %c0_i32 = arith.constant 0 : i32
    %c0_i32_0 = arith.constant 0 : i32
    return %arg0, %c0_i32 : i32, i32
  }
  func.func @transform_1(%arg0: i32) -> (i32, i32) {
    %c0_i32 = arith.constant 0 : i32
    %c0_i32_0 = arith.constant 0 : i32
    return %arg0, %c0_i32 : i32, i32
  }
  func.func @transform_2(%arg0: i32) -> (i32, i32) {
    %c0_i32 = arith.constant 0 : i32
    %c0_i32_0 = arith.constant 0 : i32
    return %arg0, %c0_i32 : i32, i32
  }
}

</mosaic_0001>

<sc_bundles>
// kernel: kernel.14.cloned.1.call-start
scs
__scs_entry_jumppad:
0x0: {  	(pc) =	sbr.rel $0x88, $3  }
0x1: {  	(tag) =	ssettag $0x0;
	lr =	simm.s32 $0x1  }
0x2: {  	[smem:$0x3F97] =	sst lr;
	_ =	strace $0xD0000000  }
0x3: {  	_ = 	snop  }
0x4: {  	_ = 	snop  }
0x5: {  	_ = 	snop  }
0x6: {  	_ = 	snop  }
0x7: {  	_ = 	snop  }
__scs_overlays_trampoline_lowered:
0x8: {  	[smem:$0x3FA6] =	sst s0  }
0x9: {  	[smem:$0x3FA7] =	sst s1  }
0xa: {  	[smem:$0x3FA8] =	sst s2  }
0xb: {  	[smem:$0x3FA9] =	sst s3  }
0xc: {  	[smem:$0x3FAA] =	sst s4  }
0xd: {  	[smem:$0x3FAB] =	sst s5  }
0xe: {  	[smem:$0x3FAC] =	sst s6  }
0xf: {  	[smem:$0x3FAD] =	sst s7  }
0x10: {  	[smem:$0x3FAE] =	sst s8  }
0x11: {  	[smem:$0x3FAF] =	sst s9;
	s0 =	simm.s32 @!p0 $0x0  }
0x12: {  	s1 =	sld [smem:$0x3F95];
	s0 =	simm.s32 @p0 $0x1  }
0x13: {  	[smem:$0x3FB0] =	sst s0;
	s0 =	simm.s32 @!p1 $0x0  }
0x14: {  	s2 =	sld [smem:$0x3F94];
	s0 =	simm.s32 @p1 $0x1  }
0x15: {  	[smem:$0x3FB1] =	sst s0;
	s0 =	simm.s32 @!p2 $0x0  }
0x16: {  	s3 =	sld [smem:$0x3FDB];
	s0 =	simm.s32 @p2 $0x1  }
0x17: {  	s4 =	simm.s32 $0x1BF5;
	[smem:$0x3FB3] =	sst s0  }
0x18: {  	s0 =	sld [smem:$0x3F96];
	_ =	swait.ge [sflag:s4], $0x0  }
0x19: {  	s7 =	sld [smem:$0x3F97]  }
0x1a: {  	s8 =	sadd.s32 $0xFFFFE003, lr  }
0x1b: {  	s9 =	sadd.s32 $0xFFFFFEF7, lr;
	s5 =	simm.s32 $0xFFFFFFFF;
	p2 =	slt.u32 s8, $0xFFFFF086  }
0x1c: {  	p1 =	slt.u32 s9, $0xF7A;
	s5 =	simm.s32 @!p2 $0x0  }
0x1d: {  	s5 =	simm.s32 @p1 $0x1;
	p0 =	seq.s32 s7, s2  }
0x1e: {  	s7 =	smul.u32 @!p0 $0xF7A, s2;
	p2 =	seq.s32 @!p0 s5, $0x0  }
0x1f: {  	s9 =	smul.u32 $0xF7A, s1;
	s8 =	simm.s32 @!p0 $0x1BF5;
	p2 =	por !p2, p0  }
0x20: {  	[sflag:s8] =	ssyncset.s32 @!p0 $0xFFFFF086;
	s6 =	sadd.s32 @!p0 s3, s7;
	s7 =	simm.s32 @!p0 $0x108  }
0x21: {  	s3 =	sadd.s32 s3, s9;
	s6 =	sadd.s32 @!p0 $0x88, s6;
	s7 =	simm.s32 @p2 $0x1082  }
0x22: {  	[simem:s7], [sflag:s8] =	dma.local @!p0 [hbm:s6], $0xF7A  }
0x23: {  	s9 =	sor.u32 $0xD0000000, s2;
	s6 =	simm.s32 $0x108;
	_ =	swait.ge @!p0 [sflag:s8], $0x0  }
0x24: {  	s3 =	sadd.s32 $0x88, s3;
	s6 =	simm.s32 @!p1 $0x1082;
	[sflag:s4] =	ssyncset.s32 $0xFFFFF086  }
0x25: {  	[simem:s6], [sflag:s4] =	dma.local [hbm:s3], $0xF7A  }
0x26: {  	[smem:$0x3F97] =	sst s1;
	(tag) =	ssettag s2;
	_ =	strace s9  }
0x27: {  	s1 =	sld [smem:$0x3FA7]  }
0x28: {  	s2 =	sld [smem:$0x3FA8]  }
0x29: {  	s4 =	sld [smem:$0x3FAA]  }
0x2a: {  	p0 =	seq.s32 s5, $0x0;
	s5 =	sld [smem:$0x3FAB]  }
0x2b: {  	s6 =	sld [smem:$0x3FAC]  }
0x2c: {  	s7 =	sld [smem:$0x3FAD]  }
0x2d: {  	s3 =	simm.s32 $0x108;
	s8 =	sld [smem:$0x3FAE]  }
0x2e: {  	s3 =	simm.s32 @!p0 $0x1082;
	s9 =	sld [smem:$0x3FAF]  }
0x2f: {  	lr =	sadd.s32 s0, s3;
	s0 =	sld [smem:$0x3FA6]  }
0x30: {  	s3 =	sld [smem:$0x3FA9]  }
0x31: {  	[smem:$0x3FB2] =	sst s10  }
0x32: {  	s10 =	sld [smem:$0x3FB0];
	_ =	sdelay $0x3  }
0x33: {  	p0 =	seq.s32 s10, $0x1;
	s10 =	sld [smem:$0x3FB2];
	_ =	sdelay $0x3  }
0x34: {  	[smem:$0x3FB2] =	sst s10  }
0x35: {  	s10 =	sld [smem:$0x3FB1];
	_ =	sdelay $0x3  }
0x36: {  	p1 =	seq.s32 s10, $0x1;
	s10 =	sld [smem:$0x3FB2];
	_ =	sdelay $0x3  }
0x37: {  	[smem:$0x3FB2] =	sst s10  }
0x38: {  	s10 =	sld [smem:$0x3FB3]  }
0x39: {  	_ = 	snop;
	(pc) =	sbr.ind lr, $3  }
0x3a: {  	_ = 	snop  }
0x3b: {  	_ = 	snop  }
0x3c: {  	p2 =	seq.s32 s10, $0x1;
	s10 =	sld [smem:$0x3FB2]  }
0x3d: {  	_ =	shalt  }
0x3e: {  	_ =	shalt  }
0x3f: {  	_ =	shalt  }
0x40: {  	_ =	shalt  }
0x41: {  	_ =	shalt  }
0x42: {  	_ =	shalt  }
0x43: {  	_ =	shalt  }
0x44: {  	_ =	shalt  }
0x45: {  	_ =	shalt  }
0x46: {  	_ =	shalt  }
0x47: {  	_ =	shalt  }
0x48: {  	_ =	shalt  }
0x49: {  	_ =	shalt  }
0x4a: {  	_ =	shalt  }
0x4b: {  	_ =	shalt  }
0x4c: {  	_ =	shalt  }
0x4d: {  	_ =	shalt  }
0x4e: {  	_ =	shalt  }
0x4f: {  	_ =	shalt  }
0x50: {  	_ =	shalt  }
0x51: {  	_ =	shalt  }
0x52: {  	_ =	shalt  }
0x53: {  	_ =	shalt  }
0x54: {  	_ =	shalt  }
0x55: {  	_ =	shalt  }
0x56: {  	_ =	shalt  }
0x57: {  	_ =	shalt  }
0x58: {  	_ =	shalt  }
0x59: {  	_ =	shalt  }
0x5a: {  	_ =	shalt  }
0x5b: {  	_ =	shalt  }
0x5c: {  	_ =	shalt  }
0x5d: {  	_ =	shalt  }
0x5e: {  	_ =	shalt  }
0x5f: {  	_ =	shalt  }
0x60: {  	_ =	shalt  }
0x61: {  	_ =	shalt  }
0x62: {  	_ =	shalt  }
0x63: {  	_ =	shalt  }
0x64: {  	_ =	shalt  }
0x65: {  	_ =	shalt  }
0x66: {  	_ =	shalt  }
0x67: {  	_ =	shalt  }
0x68: {  	_ =	shalt  }
0x69: {  	_ =	shalt  }
0x6a: {  	_ =	shalt  }
0x6b: {  	_ =	shalt  }
0x6c: {  	_ =	shalt  }
0x6d: {  	_ =	shalt  }
0x6e: {  	_ =	shalt  }
0x6f: {  	_ =	shalt  }
0x70: {  	_ =	shalt  }
0x71: {  	_ =	shalt  }
0x72: {  	_ =	shalt  }
0x73: {  	_ =	shalt  }
0x74: {  	_ =	shalt  }
0x75: {  	_ =	shalt  }
0x76: {  	_ =	shalt  }
0x77: {  	_ =	shalt  }
0x78: {  	_ =	shalt  }
0x79: {  	_ =	shalt  }
0x7a: {  	_ =	shalt  }
0x7b: {  	_ =	shalt  }
0x7c: {  	_ =	shalt  }
0x7d: {  	_ =	shalt  }
0x7e: {  	_ =	shalt  }
0x7f: {  	_ =	shalt  }
0x80: {  	_ =	shalt  }
0x81: {  	_ =	shalt  }
0x82: {  	_ =	shalt  }
0x83: {  	_ =	shalt  }
0x84: {  	_ =	shalt  }
0x85: {  	_ =	shalt  }
0x86: {  	_ =	shalt  }
0x87: {  	_ =	shalt  }
.Lfunc_end0:
.L_simem_size_0:
called_computation_lowered:
.L_overlay_start_0:
0x88: {  	s2 =	sld [smem:$0x3FD9]  }
0x89: {  	s3 =	sld [smem:$0x3FFE];
	_ =	sdelay $0x1  }
0x8a: {  	s1 =	srdreg.scid  }
0x8b: {  	s0 =	sand.u32 $0x1, s1  }
0x8c: {  	s17 =	sshll.u32 s0, $0xA;
	s2 =	sadd.s32 s3, s2  }
0x8d: {  	s2 =	sadd.s32 s2, s17  }
0x8e: {  	[smem:$0x3FBE] =	sst s2  }
0x8f: {  	_ = 	snop  }
0x90: {  	(tm) =	ssettm $0x1  }
0x91: {  	s18 =	sld [smem:$0x3FFB];
	_ =	sdelay $0x3  }
0x92: {  	_ =	strace s18  }
0x93: {  	s2 =	sld [smem:$0x3FFC];
	_ =	sdelay $0x3  }
0x94: {  	_ =	strace s2  }
0x95: {  	s2 =	sld [smem:$0x3FFD];
	_ =	sdelay $0x3  }
0x96: {  	_ =	strace s2  }
0x97: {  	_ =	strace $0x8FFFFFFF  }
0x98: {  	s19 =	sld [smem:$0x3FDB];
	_ =	sdelay $0x1  }
0x99: {  	s20 =	simm.s32 $_scs_section_size  }
0x9a: {  	s4 =	simm.s32 $_size__tile_overlayer_lowered;
	s5 =	simm.s32 $_tile_overlayer_lowered  }
0x9b: {  	s6 =	simm.s32 $0x1BFF;
	s21 =	sshll.u32 s5, $0x1;
	s3 =	sadd.s32 s20, s19  }
0x9c: {  	s22 =	simm.s32 $0x0;
	s4 =	sshll.u32 s4, $0x1;
	s5 =	sadd.s32 s21, s3  }
0x9d: {  	[timem:s22], [sflag:s6] =	dma.local [hbm:s5], s4  }
0x9e: {  	_ =	swait.ge [sflag:s6], s4  }
0x9f: {  	s4 =	ssub.s32 $0x0, s4;
	[sflag:s6] =	ssyncset.done $0x0  }
0xa0: {  	[sflag:s6] =	ssyncadd.s32 s4;
	_ =	sdelay $0x1  }
0xa1: {  	s23 =	simm.s32 $0x1B8B  }
0xa2: {  	_ =	swait.ge [sflag:s23], $0x1  }
0xa3: {  	[sflag:s23] =	ssyncset.done $0x0  }
0xa4: {  	[sflag:s23] =	ssyncadd.s32 $0xFFFFFFFF  }
0xa5: {  	s4 =	sld [smem:$0x0]  }
0xa6: {  	s5 =	sand.u32 $0xFFFFFFFE, s1  }
0xa7: {  	p0 =	sne.s32 s1, s5  }
0xa8: {  	s5 =	sshll.u32 @p0 s5, $0xE  }
0xa9: {  	s5 =	sadd.s32 @p0 $0x11B8D, s5;
	s6 =	sshll.u32 @p0 s4, $0x11  }
0xaa: {  	s5 =	sor.u32 @p0 s6, s5  }
0xab: {  	[sflag:s5] =	ssyncadd.remote.s32 @p0 $0x1;
	_ =	sdelay $0x1  }
0xac: {  	s5 =	simm.s32 @p0 $0x1B8D  }
0xad: {  	_ =	swait.eq @p0 [sflag:s5], $0x1  }
0xae: {  	[sflag:s5] =	ssyncadd.s32 @p0 $0xFFFFFFFF  }
0xaf: {  	s6 =	sshll.u32 @!p0 s1, $0xE  }
0xb0: {  	s6 =	sor.u32 @!p0 $0x4000, s6;
	s5 =	simm.s32 @!p0 $0x1B8D  }
0xb1: {  	s4 =	sshll.u32 @!p0 s4, $0x11;
	s6 =	sadd.s32 @!p0 $0x11B8D, s6;
	_ =	swait.eq @!p0 [sflag:s5], $0x1  }
0xb2: {  	s4 =	sor.u32 @!p0 s4, s6;
	[sflag:s5] =	ssyncadd.s32 @!p0 $0xFFFFFFFF  }
0xb3: {  	s25 =	simm.s32 $0x1B8E;
	s24 =	sld [smem:$0x3FFE];
	[sflag:s4] =	ssyncadd.remote.s32 @!p0 $0x1  }
0xb4: {  	s26 =	simm.s32 $execute0_lowered;
	[smem:$0x3FD2] =	sst s25  }
0xb5: {  	s5 =	sshll.u32 s26, $0x1;
	_ =	strace $0x80000049;
	[dreg:$0x1] =	wrdreg $0xFFFFFFFF  }
0xb6: {  	s28 =	simm.s32 $_size_execute0_lowered;
	s3 =	sadd.s32 s3, s5;
	[dreg:$0x0] =	wrdreg $0x0  }
0xb7: {  	s5 =	sshll.u32 s28, $0x1;
	[dreg:$0x2] =	wrdreg s3  }
0xb8: {  	[dreg:$0x3] =	wrdreg s5  }
0xb9: {  	[dreg:$0x4] =	wrdreg $0xC0  }
0xba: {  	_ =	task [dreg:s22], $0x5FFFF  }
0xbb: {  	[dreg:$0x1] =	wrdreg $0xFFFFFFFF  }
0xbc: {  	[dreg:$0x0] =	wrdreg $0x60  }
0xbd: {  	[dreg:$0x2] =	wrdreg s24  }
0xbe: {  	[dreg:$0x3] =	wrdreg $0x9  }
0xbf: {  	_ =	task.clear_ibuf [dreg:s22], $0x4FFFF;
	_ =	strace $0x90000049  }
0xc0: {  	s29 =	simm.s32 $0x9;
	_ =	strace $0x8000004B  }
0xc1: {  	_ =	swait.ge [sflag:s29], $0x1  }
0xc2: {  	[sflag:s29] =	ssyncadd.s32 $0xFFFFFFFF  }
0xc3: {  	_ =	strace $0x9000004B  }
0xc4: {  	_ =	sfence  }
0xc5: {  	s30 =	sld [smem:$0x0];
	_ =	sdelay $0x2  }
0xc6: {  	s31 =	sshll.u32 s1, $0xD;
	s1 =	sshrl.u32 s1, $0x2  }
0xc7: {  	s4 =	sand.u32 $0x4000, s31;
	s1 =	sadd.s32 s1, s30  }
0xc8: {  	s0 =	sor.u32 s4, s0;
	s1 =	sshll.u32 s1, $0x11  }
0xc9: {  	s0 =	sor.u32 s1, s0  }
0xca: {  	s0 =	sadd.s32 $0x8F2B, s0  }
0xcb: {  	[sflag:s0] =	ssyncadd.remote.s32 $0x1  }
0xcc: {  	_ =	sfence.sel $0xFFFF  }
0xcd: {  	[dreg:$0x0] =	wrdreg $0xFFFFFFFF;
	(pc) =	sbr.abs _section_cstart, $3  }
0xce: {  	[dreg:$0x1] =	wrdreg $0xFFFFFFFF  }
0xcf: {  	_ =	task.clear_ibuf [dreg:s22], $0x2FFFF;
	_ =	strace $0x9FFFFFFF  }
0xd0: {  	(tm) =	ssettm $0x7FFFFFFF  }
0xd1: {  	_ =	shalt  }
tec
execute0_lowered:
.L_overlay_start_1:
0x0: {  	(tag) =	ssettag $0x1  }
0x1: {  	s5 =	rddreg [dreg:$0x0]  }
0x2: {  	s0 =	rddreg [dreg:$0x1];
	s1 =	stileid.u32  }
0x3: {  	s2 =	simm.s32 $0x0;
	s4 =	srdreg.scid;
	s3 =	smul.u32 $0xA0, s1  }
0x4: {  	[smem:$0x7FF] =	sst s2;
	s7 =	smul.u32 $0x5000, s1  }
0x5: {  	s8 =	sand.u32 $0x1, s4;
	s4 =	sadd.s32 $0xC6E00, s5;
	s11 =	sshll.u32 s1, $0x3  }
0x6: {  	_ =	strace $0x8000004A;
	s9 =	ssub.s32 $0x2, s8;
	s30 =	smul.u32 $0x50, s8  }
0x7: {  	s31 =	smul.u32 $0x2800, s8;
	s12 =	sshll.u32 s8, $0x2;
	s6 =	sadd.s32 s3, s5  }
0x8: {  	s3 =	sadd.s32 $0x3800, s5;
	s10 =	sadd.s32 s7, s5;
	s29 =	sshrl.u32 s9, $0x1  }
0x9: {  	s5 =	ssub.s32 s9, s29;
	s7 =	sadd.s32 s30, s6;
	s9 =	sadd.s32 s31, s10  }
0xa: {  	s10 =	sor.u32 s12, s11;
	s6 =	sadd.s32 $0x18C200, s7;
	s7 =	sadd.s32 $0x18B800, s7  }
0xb: {  	s5 =	smax.u32 s5, $0x1;
	s8 =	sadd.s32 $0x22C200, s9;
	s9 =	sadd.s32 $0x27A400, s9  }
.LBB2_1:
0xc: {  	p0 =	sgt.u32 s10, $0x7C  }
0xd: {  	s11 =	sadd.s32 @!p0 $0x0, s6;
	s12 =	simm.s32 @!p0 $0x0;
	s13 =	simm.s32 @!p0 $0x4  }
0xe: {  	[tilespmem:s12], [sflag:$0x4] =	stream.linear.gather @!p0 [hbm4b:s11+s12], $0xA0, $0x38;
	[tilespmem:$0xA200] =	vst v63  }
0xf: {  	_ =	swait.ge @!p0 [sflag:s13], $0xA0;
	p0 =	por p0, p0  }
0x10: {  	[sflag:s13] =	ssyncset.done @!p0 $0x0  }
0x11: {  	s11 =	sadd.s32 @!p0 $0x0, s7;
	s14 =	simm.s32 @!p0 $0x100;
	[sflag:s13] =	ssyncadd.s32 @!p0 $0xFFFFFF60  }
0x12: {  	[tilespmem:s14], [sflag:$0x4] =	stream.linear.gather @!p0 [hbm4b:s11+s12], $0xA0, $0x38;
	[tilespmem:$0xA200] =	vst v63  }
0x13: {  	_ =	swait.ge @!p0 [sflag:s13], $0xA0  }
0x14: {  	[sflag:s13] =	ssyncset.done @!p0 $0x0  }
0x15: {  	s15 =	simm.s32 @!p0 $0x200;
	s11 =	simm.s32 @!p0 $0xA0;
	[sflag:s13] =	ssyncadd.s32 @!p0 $0xFFFFFF60  }
0x16: {  	[tilespmem:s15], [sflag:$0x1] =	stream.indirect.gather @!p0 [hbm4b:s3+s11], $0x80, s12, s11, $0xb8;
	[tilespmem:$0xA200] =	vst v63  }
0x17: {  	s16 =	simm.s32 @!p0 $0x5200;
	s17 =	simm.s32 @!p0 $0x1  }
0x18: {  	[tilespmem:s16], [sflag:$0x2] =	stream.indirect.gather @!p0 [hbm4b:s4+s11], $0x80, s14, s11, $0xb8;
	[tilespmem:$0xA200] =	vst v63  }
0x19: {  	_ =	swait.ge @!p0 [sflag:s17], $0x5000  }
0x1a: {  	[sflag:s17] =	ssyncset.done @!p0 $0x0  }
0x1b: {  	[sflag:s17] =	ssyncadd.s32 @!p0 $0xFFFFB000  }
0x1c: {  	[hbm4b:s8+s12] =	stream.linear.scatter @!p0 [tilespmem:s15], [sflag:$0x4], $0x5000, $0x38;
	[tilespmem:$0xA200] =	vst v63  }
0x1d: {  	_ =	swait.ge @!p0 [sflag:s13], $0x5000  }
0x1e: {  	[sflag:s13] =	ssyncset.done @!p0 $0x0  }
0x1f: {  	s11 =	simm.s32 @!p0 $0x2;
	[sflag:s13] =	ssyncadd.s32 @!p0 $0xFFFFB000  }
0x20: {  	s14 =	simm.s32 $0x28;
	_ =	swait.ge @!p0 [sflag:s11], $0x5000  }
0x21: {  	s17 =	simm.s32 @!p0 $0x3;
	s15 =	sadd.s32 $0x1, s10;
	[sflag:s11] =	ssyncset.done @!p0 $0x0  }
0x22: {  	p2 =	sgt.u32 s15, $0x7C;
	s13 =	simm.s32 $0x14;
	[sflag:s11] =	ssyncadd.s32 @!p0 $0xFFFFB000  }
0x23: {  	[hbm4b:s9+s12] =	stream.linear.scatter @!p0 [tilespmem:s16], [sflag:$0x3], $0x5000, $0x38;
	[tilespmem:$0xA200] =	vst v63  }
0x24: {  	s11 =	sadd.s32 $0xA00, s9;
	s12 =	sadd.s32 $0xA00, s8;
	_ =	swait.ge @!p0 [sflag:s17], $0x5000  }
.LBB2_2:
0x25: {  	s18 =	sadd.s32 @!p2 s13, s6;
	s16 =	simm.s32 @!p2 $0x0  }
0x26: {  	[sflag:s17] =	ssyncset.done @!p0 $0x0;
	s19 =	smov.u32 s14;
	s20 =	smov.u32 s11  }
0x27: {  	s14 =	sadd.s32 $0x14, s14;
	s21 =	simm.s32 @!p2 $0x4;
	[sflag:s17] =	ssyncadd.s32 @!p0 $0xFFFFB000  }
0x28: {  	[tilespmem:s16], [sflag:$0x4] =	stream.linear.gather @!p2 [hbm4b:s18+s16], $0xA0, $0x38;
	[tilespmem:$0xA200] =	vst v63  }
0x29: {  	p1 =	sne.s32 s14, $0x50;
	p0 =	por p2, p2;
	_ =	swait.ge @!p2 [sflag:s21], $0xA0  }
0x2a: {  	[sflag:s21] =	ssyncset.done @!p0 $0x0  }
0x2b: {  	s13 =	sadd.s32 @!p0 s13, s7;
	s17 =	simm.s32 @!p0 $0x100;
	[sflag:s21] =	ssyncadd.s32 @!p0 $0xFFFFFF60  }
0x2c: {  	[tilespmem:s17], [sflag:$0x4] =	stream.linear.gather @!p0 [hbm4b:s13+s16], $0xA0, $0x38;
	[tilespmem:$0xA200] =	vst v63  }
0x2d: {  	s13 =	smov.u32 s19;
	_ =	swait.ge @!p0 [sflag:s21], $0xA0  }
0x2e: {  	[sflag:s21] =	ssyncset.done @!p0 $0x0  }
0x2f: {  	s18 =	simm.s32 @!p0 $0xA0;
	s19 =	simm.s32 @!p0 $0x200;
	[sflag:s21] =	ssyncadd.s32 @!p0 $0xFFFFFF60  }
0x30: {  	[tilespmem:s19], [sflag:$0x1] =	stream.indirect.gather @!p0 [hbm4b:s3+s18], $0x80, s16, s18, $0xb8;
	[tilespmem:$0xA200] =	vst v63  }
0x31: {  	s22 =	simm.s32 @!p0 $0x5200;
	s23 =	simm.s32 @!p0 $0x1  }
0x32: {  	[tilespmem:s22], [sflag:$0x2] =	stream.indirect.gather @!p0 [hbm4b:s4+s18], $0x80, s17, s18, $0xb8;
	[tilespmem:$0xA200] =	vst v63  }
0x33: {  	_ =	swait.ge @!p0 [sflag:s23], $0x5000  }
0x34: {  	[sflag:s23] =	ssyncset.done @!p0 $0x0  }
0x35: {  	[sflag:s23] =	ssyncadd.s32 @!p0 $0xFFFFB000  }
0x36: {  	[hbm4b:s12+s16] =	stream.linear.scatter @!p0 [tilespmem:s19], [sflag:$0x4], $0x5000, $0x38;
	[tilespmem:$0xA200] =	vst v63  }
0x37: {  	_ =	swait.ge @!p0 [sflag:s21], $0x5000  }
0x38: {  	[sflag:s21] =	ssyncset.done @!p0 $0x0  }
0x39: {  	s17 =	simm.s32 @!p0 $0x2;
	[sflag:s21] =	ssyncadd.s32 @!p0 $0xFFFFB000  }
.Ltmp0:
0x3a: {  	_ =	swait.ge @!p0 [sflag:s17], $0x5000;
	(pc) =	sbr.rel @p1 .LBB2_2-.Ltmp0, $4  }
0x3b: {  	s11 =	sadd.s32 $0xA00, s11;
	[sflag:s17] =	ssyncset.done @!p0 $0x0  }
0x3c: {  	s15 =	sadd.s32 $0x1, s15;
	[sflag:s17] =	ssyncadd.s32 @!p0 $0xFFFFB000;
	s17 =	simm.s32 @!p0 $0x3  }
0x3d: {  	[hbm4b:s20+s16] =	stream.linear.scatter @!p0 [tilespmem:s22], [sflag:$0x3], $0x5000, $0x38;
	[tilespmem:$0xA200] =	vst v63  }
0x3e: {  	p2 =	sgt.u32 s15, $0x7C;
	s12 =	sadd.s32 $0xA00, s12;
	_ =	swait.ge @!p0 [sflag:s17], $0x5000  }
0x3f: {  	s14 =	sadd.s32 @!p2 s13, s6;
	[sflag:s17] =	ssyncset.done @!p0 $0x0  }
0x40: {  	s15 =	simm.s32 @!p2 $0x0;
	s16 =	simm.s32 @!p2 $0x4;
	[sflag:s17] =	ssyncadd.s32 @!p0 $0xFFFFB000  }
0x41: {  	[tilespmem:s15], [sflag:$0x4] =	stream.linear.gather @!p2 [hbm4b:s14+s15], $0xA0, $0x38;
	[tilespmem:$0xA200] =	vst v63  }
0x42: {  	p0 =	por p2, p2;
	_ =	swait.ge @!p2 [sflag:s16], $0xA0  }
0x43: {  	[sflag:s16] =	ssyncset.done @!p0 $0x0  }
0x44: {  	s13 =	sadd.s32 @!p0 s13, s7;
	s14 =	simm.s32 @!p0 $0x100;
	[sflag:s16] =	ssyncadd.s32 @!p0 $0xFFFFFF60  }
0x45: {  	[tilespmem:s14], [sflag:$0x4] =	stream.linear.gather @!p0 [hbm4b:s13+s15], $0xA0, $0x38;
	[tilespmem:$0xA200] =	vst v63  }
0x46: {  	_ =	swait.ge @!p0 [sflag:s16], $0xA0  }
0x47: {  	[sflag:s16] =	ssyncset.done @!p0 $0x0  }
0x48: {  	s17 =	simm.s32 @!p0 $0x200;
	s13 =	simm.s32 @!p0 $0xA0;
	[sflag:s16] =	ssyncadd.s32 @!p0 $0xFFFFFF60  }
0x49: {  	[tilespmem:s17], [sflag:$0x1] =	stream.indirect.gather @!p0 [hbm4b:s3+s13], $0x80, s15, s13, $0xb8;
	[tilespmem:$0xA200] =	vst v63  }
0x4a: {  	s18 =	simm.s32 @!p0 $0x5200;
	s19 =	simm.s32 @!p0 $0x1  }
0x4b: {  	[tilespmem:s18], [sflag:$0x2] =	stream.indirect.gather @!p0 [hbm4b:s4+s13], $0x80, s14, s13, $0xb8;
	[tilespmem:$0xA200] =	vst v63  }
0x4c: {  	_ =	swait.ge @!p0 [sflag:s19], $0x5000  }
0x4d: {  	[sflag:s19] =	ssyncset.done @!p0 $0x0  }
0x4e: {  	[sflag:s19] =	ssyncadd.s32 @!p0 $0xFFFFB000  }
0x4f: {  	[hbm4b:s12+s15] =	stream.linear.scatter @!p0 [tilespmem:s17], [sflag:$0x4], $0x5000, $0x38;
	[tilespmem:$0xA200] =	vst v63  }
0x50: {  	_ =	swait.ge @!p0 [sflag:s16], $0x5000  }
0x51: {  	[sflag:s16] =	ssyncset.done @!p0 $0x0  }
0x52: {  	s12 =	simm.s32 @!p0 $0x2;
	[sflag:s16] =	ssyncadd.s32 @!p0 $0xFFFFB000  }
0x53: {  	s2 =	sadd.s32 $0x1, s2;
	_ =	swait.ge @!p0 [sflag:s12], $0x5000  }
0x54: {  	p1 =	sne.s32 s2, s5;
	[sflag:s12] =	ssyncset.done @!p0 $0x0  }
.Ltmp1:
0x55: {  	[sflag:s12] =	ssyncadd.s32 @!p0 $0xFFFFB000;
	s12 =	simm.s32 @!p0 $0x3;
	(pc) =	sbr.rel @p1 .LBB2_1-.Ltmp1, $4  }
0x56: {  	[hbm4b:s11+s15] =	stream.linear.scatter @!p0 [tilespmem:s18], [sflag:$0x3], $0x5000, $0x38;
	[tilespmem:$0xA200] =	vst v63  }
0x57: {  	_ =	swait.ge @!p0 [sflag:s12], $0x5000  }
0x58: {  	[sflag:s12] =	ssyncset.done @!p0 $0x0  }
0x59: {  	[sflag:s12] =	ssyncadd.s32 @!p0 $0xFFFFB000  }
0x5a: {  	_ =	sfence.sel $0x180000  }
0x5b: {  	[bflag:$0x0] =	sbarrier.arrive $0xFFFF  }
0x5c: {  	p0 =	sne.s32 s1, $0x0;
	_ =	strace $0x9000004A  }
0x5d: {  	s0 =	sadd.s32 @!p0 $0x100000, s0;
	[bflag:$0x2] =	sbarrier.arrive $0xFFFF  }
0x5e: {  	[sflag:s0] =	ssyncadd.tile.s32 @!p0 $0x1;
	_ =	shalt  }
.Lfunc_end2:
_tile_overlayer_lowered:
.L_overlay_start_2:
0x5f: {  	(tag) =	ssettag $0x2  }
0x60: {  	s0 =	rddreg [dreg:$0x0];
	s2 =	stileid.u32  }
0x61: {  	s1 =	rddreg [dreg:$0x1];
	p0 =	sne.s32 s2, $0x0  }
0x62: {  	s3 =	rddreg [dreg:$0x2];
	[bflag:$0x3] =	sbarrier.arrive $0xFFFF;
	s2 =	simm.s32 @!p0 $0x1C03  }
0x63: {  	[timem:s3], [sflag:s2] =	dma.local @!p0 [hbm:s0], s1  }
0x64: {  	s0 =	simm.s32 @!p0 $0x3  }
0x65: {  	_ =	swait.ge @!p0 [sflag:s0], s1  }
0x66: {  	s1 =	ssub.s32 @!p0 $0x0, s1;
	[sflag:s0] =	ssyncset.done @!p0 $0x0  }
0x67: {  	[sflag:s0] =	ssyncadd.s32 @!p0 s1  }
0x68: {  	[bflag:$0x3] =	sbarrier.arrive $0xFFFF  }
0x69: {  	_ =	shalt  }

// kernel: kernel.17.cloned.1.call-start
scs
__scs_entry_jumppad:
0x0: {  	(pc) =	sbr.rel $0x88, $3  }
0x1: {  	(tag) =	ssettag $0x0;
	lr =	simm.s32 $0x1  }
0x2: {  	[smem:$0x3F97] =	sst lr;
	_ =	strace $0xD0000000  }
0x3: {  	_ = 	snop  }
0x4: {  	_ = 	snop  }
0x5: {  	_ = 	snop  }
0x6: {  	_ = 	snop  }
0x7: {  	_ = 	snop  }
__scs_overlays_trampoline_lowered:
0x8: {  	[smem:$0x3FA6] =	sst s0  }
0x9: {  	[smem:$0x3FA7] =	sst s1  }
0xa: {  	[smem:$0x3FA8] =	sst s2  }
0xb: {  	[smem:$0x3FA9] =	sst s3  }
0xc: {  	[smem:$0x3FAA] =	sst s4  }
0xd: {  	[smem:$0x3FAB] =	sst s5  }
0xe: {  	[smem:$0x3FAC] =	sst s6  }
0xf: {  	[smem:$0x3FAD] =	sst s7  }
0x10: {  	[smem:$0x3FAE] =	sst s8  }
0x11: {  	[smem:$0x3FAF] =	sst s9;
	s0 =	simm.s32 @!p0 $0x0  }
0x12: {  	s1 =	sld [smem:$0x3F95];
	s0 =	simm.s32 @p0 $0x1  }
0x13: {  	[smem:$0x3FB0] =	sst s0;
	s0 =	simm.s32 @!p1 $0x0  }
0x14: {  	s2 =	sld [smem:$0x3F94];
	s0 =	simm.s32 @p1 $0x1  }
0x15: {  	[smem:$0x3FB1] =	sst s0;
	s0 =	simm.s32 @!p2 $0x0  }
0x16: {  	s3 =	sld [smem:$0x3FDB];
	s0 =	simm.s32 @p2 $0x1  }
0x17: {  	s4 =	simm.s32 $0x1BF5;
	[smem:$0x3FB3] =	sst s0  }
0x18: {  	s0 =	sld [smem:$0x3F96];
	_ =	swait.ge [sflag:s4], $0x0  }
0x19: {  	s7 =	sld [smem:$0x3F97]  }
0x1a: {  	s8 =	sadd.s32 $0xFFFFE003, lr  }
0x1b: {  	s9 =	sadd.s32 $0xFFFFFEF7, lr;
	s5 =	simm.s32 $0xFFFFFFFF;
	p2 =	slt.u32 s8, $0xFFFFF086  }
0x1c: {  	p1 =	slt.u32 s9, $0xF7A;
	s5 =	simm.s32 @!p2 $0x0  }
0x1d: {  	s5 =	simm.s32 @p1 $0x1;
	p0 =	seq.s32 s7, s2  }
0x1e: {  	s7 =	smul.u32 @!p0 $0xF7A, s2;
	p2 =	seq.s32 @!p0 s5, $0x0  }
0x1f: {  	s9 =	smul.u32 $0xF7A, s1;
	s8 =	simm.s32 @!p0 $0x1BF5;
	p2 =	por !p2, p0  }
0x20: {  	[sflag:s8] =	ssyncset.s32 @!p0 $0xFFFFF086;
	s6 =	sadd.s32 @!p0 s3, s7;
	s7 =	simm.s32 @!p0 $0x108  }
0x21: {  	s3 =	sadd.s32 s3, s9;
	s6 =	sadd.s32 @!p0 $0x88, s6;
	s7 =	simm.s32 @p2 $0x1082  }
0x22: {  	[simem:s7], [sflag:s8] =	dma.local @!p0 [hbm:s6], $0xF7A  }
0x23: {  	s9 =	sor.u32 $0xD0000000, s2;
	s6 =	simm.s32 $0x108;
	_ =	swait.ge @!p0 [sflag:s8], $0x0  }
0x24: {  	s3 =	sadd.s32 $0x88, s3;
	s6 =	simm.s32 @!p1 $0x1082;
	[sflag:s4] =	ssyncset.s32 $0xFFFFF086  }
0x25: {  	[simem:s6], [sflag:s4] =	dma.local [hbm:s3], $0xF7A  }
0x26: {  	[smem:$0x3F97] =	sst s1;
	(tag) =	ssettag s2;
	_ =	strace s9  }
0x27: {  	s1 =	sld [smem:$0x3FA7]  }
0x28: {  	s2 =	sld [smem:$0x3FA8]  }
0x29: {  	s4 =	sld [smem:$0x3FAA]  }
0x2a: {  	p0 =	seq.s32 s5, $0x0;
	s5 =	sld [smem:$0x3FAB]  }
0x2b: {  	s6 =	sld [smem:$0x3FAC]  }
0x2c: {  	s7 =	sld [smem:$0x3FAD]  }
0x2d: {  	s3 =	simm.s32 $0x108;
	s8 =	sld [smem:$0x3FAE]  }
0x2e: {  	s3 =	simm.s32 @!p0 $0x1082;
	s9 =	sld [smem:$0x3FAF]  }
0x2f: {  	lr =	sadd.s32 s0, s3;
	s0 =	sld [smem:$0x3FA6]  }
0x30: {  	s3 =	sld [smem:$0x3FA9]  }
0x31: {  	[smem:$0x3FB2] =	sst s10  }
0x32: {  	s10 =	sld [smem:$0x3FB0];
	_ =	sdelay $0x3  }
0x33: {  	p0 =	seq.s32 s10, $0x1;
	s10 =	sld [smem:$0x3FB2];
	_ =	sdelay $0x3  }
0x34: {  	[smem:$0x3FB2] =	sst s10  }
0x35: {  	s10 =	sld [smem:$0x3FB1];
	_ =	sdelay $0x3  }
0x36: {  	p1 =	seq.s32 s10, $0x1;
	s10 =	sld [smem:$0x3FB2];
	_ =	sdelay $0x3  }
0x37: {  	[smem:$0x3FB2] =	sst s10  }
0x38: {  	s10 =	sld [smem:$0x3FB3]  }
0x39: {  	_ = 	snop;
	(pc) =	sbr.ind lr, $3  }
0x3a: {  	_ = 	snop  }
0x3b: {  	_ = 	snop  }
0x3c: {  	p2 =	seq.s32 s10, $0x1;
	s10 =	sld [smem:$0x3FB2]  }
0x3d: {  	_ =	shalt  }
0x3e: {  	_ =	shalt  }
0x3f: {  	_ =	shalt  }
0x40: {  	_ =	shalt  }
0x41: {  	_ =	shalt  }
0x42: {  	_ =	shalt  }
0x43: {  	_ =	shalt  }
0x44: {  	_ =	shalt  }
0x45: {  	_ =	shalt  }
0x46: {  	_ =	shalt  }
0x47: {  	_ =	shalt  }
0x48: {  	_ =	shalt  }
0x49: {  	_ =	shalt  }
0x4a: {  	_ =	shalt  }
0x4b: {  	_ =	shalt  }
0x4c: {  	_ =	shalt  }
0x4d: {  	_ =	shalt  }
0x4e: {  	_ =	shalt  }
0x4f: {  	_ =	shalt  }
0x50: {  	_ =	shalt  }
0x51: {  	_ =	shalt  }
0x52: {  	_ =	shalt  }
0x53: {  	_ =	shalt  }
0x54: {  	_ =	shalt  }
0x55: {  	_ =	shalt  }
0x56: {  	_ =	shalt  }
0x57: {  	_ =	shalt  }
0x58: {  	_ =	shalt  }
0x59: {  	_ =	shalt  }
0x5a: {  	_ =	shalt  }
0x5b: {  	_ =	shalt  }
0x5c: {  	_ =	shalt  }
0x5d: {  	_ =	shalt  }
0x5e: {  	_ =	shalt  }
0x5f: {  	_ =	shalt  }
0x60: {  	_ =	shalt  }
0x61: {  	_ =	shalt  }
0x62: {  	_ =	shalt  }
0x63: {  	_ =	shalt  }
0x64: {  	_ =	shalt  }
0x65: {  	_ =	shalt  }
0x66: {  	_ =	shalt  }
0x67: {  	_ =	shalt  }
0x68: {  	_ =	shalt  }
0x69: {  	_ =	shalt  }
0x6a: {  	_ =	shalt  }
0x6b: {  	_ =	shalt  }
0x6c: {  	_ =	shalt  }
0x6d: {  	_ =	shalt  }
0x6e: {  	_ =	shalt  }
0x6f: {  	_ =	shalt  }
0x70: {  	_ =	shalt  }
0x71: {  	_ =	shalt  }
0x72: {  	_ =	shalt  }
0x73: {  	_ =	shalt  }
0x74: {  	_ =	shalt  }
0x75: {  	_ =	shalt  }
0x76: {  	_ =	shalt  }
0x77: {  	_ =	shalt  }
0x78: {  	_ =	shalt  }
0x79: {  	_ =	shalt  }
0x7a: {  	_ =	shalt  }
0x7b: {  	_ =	shalt  }
0x7c: {  	_ =	shalt  }
0x7d: {  	_ =	shalt  }
0x7e: {  	_ =	shalt  }
0x7f: {  	_ =	shalt  }
0x80: {  	_ =	shalt  }
0x81: {  	_ =	shalt  }
0x82: {  	_ =	shalt  }
0x83: {  	_ =	shalt  }
0x84: {  	_ =	shalt  }
0x85: {  	_ =	shalt  }
0x86: {  	_ =	shalt  }
0x87: {  	_ =	shalt  }
.Lfunc_end0:
.L_simem_size_0:
called_computation.1_lowered:
.L_overlay_start_0:
0x88: {  	s2 =	sld [smem:$0x3FD9]  }
0x89: {  	s3 =	sld [smem:$0x3FFE];
	_ =	sdelay $0x1  }
0x8a: {  	s1 =	srdreg.scid  }
0x8b: {  	s0 =	sand.u32 $0x1, s1  }
0x8c: {  	s16 =	sshll.u32 s0, $0xA;
	s2 =	sadd.s32 s3, s2  }
0x8d: {  	s2 =	sadd.s32 s2, s16  }
0x8e: {  	[smem:$0x3FBE] =	sst s2  }
0x8f: {  	_ = 	snop  }
0x90: {  	(tm) =	ssettm $0x1  }
0x91: {  	s17 =	sld [smem:$0x3FFB];
	_ =	sdelay $0x3  }
0x92: {  	_ =	strace s17  }
0x93: {  	s2 =	sld [smem:$0x3FFC];
	_ =	sdelay $0x3  }
0x94: {  	_ =	strace s2  }
0x95: {  	s2 =	sld [smem:$0x3FFD];
	_ =	sdelay $0x3  }
0x96: {  	_ =	strace s2  }
0x97: {  	_ =	strace $0x8FFFFFFF  }
0x98: {  	s18 =	sld [smem:$0x3FDB];
	_ =	sdelay $0x1  }
0x99: {  	s19 =	simm.s32 $_scs_section_size  }
0x9a: {  	s4 =	simm.s32 $_size__tile_overlayer_lowered;
	s5 =	simm.s32 $_tile_overlayer_lowered  }
0x9b: {  	s22 =	simm.s32 $0x1BFF;
	s21 =	sshll.u32 s5, $0x1;
	s2 =	sadd.s32 s19, s18  }
0x9c: {  	s6 =	simm.s32 $0x0;
	s20 =	sshll.u32 s4, $0x1;
	s4 =	sadd.s32 s21, s2  }
0x9d: {  	[timem:s6], [sflag:s22] =	dma.local [hbm:s4], s20  }
0x9e: {  	_ =	swait.ge [sflag:s22], s20  }
0x9f: {  	s3 =	ssub.s32 $0x0, s20;
	[sflag:s22] =	ssyncset.done $0x0  }
0xa0: {  	[sflag:s22] =	ssyncadd.s32 s3;
	_ =	sdelay $0x1  }
0xa1: {  	s23 =	simm.s32 $0x1B8B  }
0xa2: {  	_ =	swait.ge [sflag:s23], $0x1  }
0xa3: {  	[sflag:s23] =	ssyncset.done $0x0  }
0xa4: {  	s25 =	simm.s32 $0x1B8E;
	s24 =	sld [smem:$0x3FFE];
	[sflag:s23] =	ssyncadd.s32 $0xFFFFFFFF  }
0xa5: {  	s26 =	simm.s32 $execute0_lowered;
	[smem:$0x3FD2] =	sst s25  }
0xa6: {  	s4 =	sshll.u32 s26, $0x1;
	_ =	strace $0x80000046;
	[dreg:$0x1] =	wrdreg $0xFFFFFFFF  }
0xa7: {  	s28 =	simm.s32 $_size_execute0_lowered;
	s2 =	sadd.s32 s2, s4;
	[dreg:$0x0] =	wrdreg $0x0  }
0xa8: {  	s4 =	sshll.u32 s28, $0x1;
	[dreg:$0x2] =	wrdreg s2  }
0xa9: {  	[dreg:$0x3] =	wrdreg s4  }
0xaa: {  	[dreg:$0x4] =	wrdreg $0xC0  }
0xab: {  	_ =	task [dreg:s6], $0x5FFFF  }
0xac: {  	[dreg:$0x1] =	wrdreg $0xFFFFFFFF  }
0xad: {  	[dreg:$0x0] =	wrdreg $0x60  }
0xae: {  	[dreg:$0x2] =	wrdreg s24  }
0xaf: {  	[dreg:$0x3] =	wrdreg $0xA  }
0xb0: {  	_ =	task.clear_ibuf [dreg:s6], $0x4FFFF;
	_ =	strace $0x90000046  }
0xb1: {  	s29 =	simm.s32 $0xA;
	_ =	strace $0x80000048  }
0xb2: {  	_ =	swait.ge [sflag:s29], $0x1  }
0xb3: {  	[sflag:s29] =	ssyncadd.s32 $0xFFFFFFFF  }
0xb4: {  	_ =	strace $0x90000048  }
0xb5: {  	_ =	sfence  }
0xb6: {  	s30 =	sld [smem:$0x0];
	_ =	sdelay $0x2  }
0xb7: {  	s31 =	sshll.u32 s1, $0xD;
	s1 =	sshrl.u32 s1, $0x2  }
0xb8: {  	s3 =	sand.u32 $0x4000, s31;
	s1 =	sadd.s32 s1, s30  }
0xb9: {  	s0 =	sor.u32 s3, s0;
	s1 =	sshll.u32 s1, $0x11  }
0xba: {  	s0 =	sor.u32 s1, s0  }
0xbb: {  	s0 =	sadd.s32 $0x8F2B, s0  }
0xbc: {  	[sflag:s0] =	ssyncadd.remote.s32 $0x1  }
0xbd: {  	_ =	sfence.sel $0xFFFF  }
0xbe: {  	[dreg:$0x0] =	wrdreg $0xFFFFFFFF;
	(pc) =	sbr.abs _section_cstart, $3  }
0xbf: {  	[dreg:$0x1] =	wrdreg $0xFFFFFFFF  }
0xc0: {  	_ =	task.clear_ibuf [dreg:s6], $0x2FFFF;
	_ =	strace $0x9FFFFFFF  }
0xc1: {  	(tm) =	ssettm $0x7FFFFFFF  }
tec
execute0_lowered:
.L_overlay_start_1:
0x0: {  	(tag) =	ssettag $0x1  }
0x1: {  	s5 =	rddreg [dreg:$0x0]  }
0x2: {  	s0 =	rddreg [dreg:$0x1];
	s1 =	stileid.u32  }
0x3: {  	s2 =	simm.s32 $0x0;
	s4 =	srdreg.scid;
	s3 =	smul.u32 $0xA0, s1  }
0x4: {  	[smem:$0x7FF] =	sst s2;
	s7 =	smul.u32 $0x5000, s1  }
0x5: {  	s8 =	sand.u32 $0x1, s4;
	s4 =	sadd.s32 $0xC6E00, s5;
	s11 =	sshll.u32 s1, $0x3  }
0x6: {  	_ =	strace $0x80000047;
	s9 =	ssub.s32 $0x2, s8;
	s30 =	smul.u32 $0x50, s8  }
0x7: {  	s31 =	smul.u32 $0x2800, s8;
	s12 =	sshll.u32 s8, $0x2;
	s6 =	sadd.s32 s3, s5  }
0x8: {  	s3 =	sadd.s32 $0x3800, s5;
	s10 =	sadd.s32 s7, s5;
	s29 =	sshrl.u32 s9, $0x1  }
0x9: {  	s5 =	ssub.s32 s9, s29;
	s7 =	sadd.s32 s30, s6;
	s9 =	sadd.s32 s31, s10  }
0xa: {  	s10 =	sor.u32 s12, s11;
	s6 =	sadd.s32 $0x18AE00, s7;
	s7 =	sadd.s32 $0x18A400, s7  }
0xb: {  	s5 =	smax.u32 s5, $0x1;
	s8 =	sadd.s32 $0x18FE00, s9;
	s9 =	sadd.s32 $0x1DE000, s9  }
.LBB2_1:
0xc: {  	p0 =	sgt.u32 s10, $0x7C  }
0xd: {  	s11 =	sadd.s32 @!p0 $0x0, s6;
	s12 =	simm.s32 @!p0 $0x0;
	s13 =	simm.s32 @!p0 $0x4  }
0xe: {  	[tilespmem:s12], [sflag:$0x4] =	stream.linear.gather @!p0 [hbm4b:s11+s12], $0xA0, $0x38;
	[tilespmem:$0xA200] =	vst v63  }
0xf: {  	_ =	swait.ge @!p0 [sflag:s13], $0xA0;
	p0 =	por p0, p0  }
0x10: {  	[sflag:s13] =	ssyncset.done @!p0 $0x0  }
0x11: {  	s11 =	sadd.s32 @!p0 $0x0, s7;
	s14 =	simm.s32 @!p0 $0x100;
	[sflag:s13] =	ssyncadd.s32 @!p0 $0xFFFFFF60  }
0x12: {  	[tilespmem:s14], [sflag:$0x4] =	stream.linear.gather @!p0 [hbm4b:s11+s12], $0xA0, $0x38;
	[tilespmem:$0xA200] =	vst v63  }
0x13: {  	_ =	swait.ge @!p0 [sflag:s13], $0xA0  }
0x14: {  	[sflag:s13] =	ssyncset.done @!p0 $0x0  }
0x15: {  	s15 =	simm.s32 @!p0 $0x200;
	s11 =	simm.s32 @!p0 $0xA0;
	[sflag:s13] =	ssyncadd.s32 @!p0 $0xFFFFFF60  }
0x16: {  	[tilespmem:s15], [sflag:$0x1] =	stream.indirect.gather @!p0 [hbm4b:s3+s11], $0x80, s12, s11, $0xb8;
	[tilespmem:$0xA200] =	vst v63  }
0x17: {  	s16 =	simm.s32 @!p0 $0x5200;
	s17 =	simm.s32 @!p0 $0x1  }
0x18: {  	[tilespmem:s16], [sflag:$0x2] =	stream.indirect.gather @!p0 [hbm4b:s4+s11], $0x80, s14, s11, $0xb8;
	[tilespmem:$0xA200] =	vst v63  }
0x19: {  	_ =	swait.ge @!p0 [sflag:s17], $0x5000  }
0x1a: {  	[sflag:s17] =	ssyncset.done @!p0 $0x0  }
0x1b: {  	[sflag:s17] =	ssyncadd.s32 @!p0 $0xFFFFB000  }
0x1c: {  	[hbm4b:s8+s12] =	stream.linear.scatter @!p0 [tilespmem:s15], [sflag:$0x4], $0x5000, $0x38;
	[tilespmem:$0xA200] =	vst v63  }
0x1d: {  	_ =	swait.ge @!p0 [sflag:s13], $0x5000  }
0x1e: {  	[sflag:s13] =	ssyncset.done @!p0 $0x0  }
0x1f: {  	s11 =	simm.s32 @!p0 $0x2;
	[sflag:s13] =	ssyncadd.s32 @!p0 $0xFFFFB000  }
0x20: {  	s14 =	simm.s32 $0x28;
	_ =	swait.ge @!p0 [sflag:s11], $0x5000  }
0x21: {  	s17 =	simm.s32 @!p0 $0x3;
	s15 =	sadd.s32 $0x1, s10;
	[sflag:s11] =	ssyncset.done @!p0 $0x0  }
0x22: {  	p2 =	sgt.u32 s15, $0x7C;
	s13 =	simm.s32 $0x14;
	[sflag:s11] =	ssyncadd.s32 @!p0 $0xFFFFB000  }
0x23: {  	[hbm4b:s9+s12] =	stream.linear.scatter @!p0 [tilespmem:s16], [sflag:$0x3], $0x5000, $0x38;
	[tilespmem:$0xA200] =	vst v63  }
0x24: {  	s11 =	sadd.s32 $0xA00, s9;
	s12 =	sadd.s32 $0xA00, s8;
	_ =	swait.ge @!p0 [sflag:s17], $0x5000  }
.LBB2_2:
0x25: {  	s18 =	sadd.s32 @!p2 s13, s6;
	s16 =	simm.s32 @!p2 $0x0  }
0x26: {  	[sflag:s17] =	ssyncset.done @!p0 $0x0;
	s19 =	smov.u32 s14;
	s20 =	smov.u32 s11  }
0x27: {  	s14 =	sadd.s32 $0x14, s14;
	s21 =	simm.s32 @!p2 $0x4;
	[sflag:s17] =	ssyncadd.s32 @!p0 $0xFFFFB000  }
0x28: {  	[tilespmem:s16], [sflag:$0x4] =	stream.linear.gather @!p2 [hbm4b:s18+s16], $0xA0, $0x38;
	[tilespmem:$0xA200] =	vst v63  }
0x29: {  	p1 =	sne.s32 s14, $0x50;
	p0 =	por p2, p2;
	_ =	swait.ge @!p2 [sflag:s21], $0xA0  }
0x2a: {  	[sflag:s21] =	ssyncset.done @!p0 $0x0  }
0x2b: {  	s13 =	sadd.s32 @!p0 s13, s7;
	s17 =	simm.s32 @!p0 $0x100;
	[sflag:s21] =	ssyncadd.s32 @!p0 $0xFFFFFF60  }
0x2c: {  	[tilespmem:s17], [sflag:$0x4] =	stream.linear.gather @!p0 [hbm4b:s13+s16], $0xA0, $0x38;
	[tilespmem:$0xA200] =	vst v63  }
0x2d: {  	s13 =	smov.u32 s19;
	_ =	swait.ge @!p0 [sflag:s21], $0xA0  }
0x2e: {  	[sflag:s21] =	ssyncset.done @!p0 $0x0  }
0x2f: {  	s18 =	simm.s32 @!p0 $0xA0;
	s19 =	simm.s32 @!p0 $0x200;
	[sflag:s21] =	ssyncadd.s32 @!p0 $0xFFFFFF60  }
0x30: {  	[tilespmem:s19], [sflag:$0x1] =	stream.indirect.gather @!p0 [hbm4b:s3+s18], $0x80, s16, s18, $0xb8;
	[tilespmem:$0xA200] =	vst v63  }
0x31: {  	s22 =	simm.s32 @!p0 $0x5200;
	s23 =	simm.s32 @!p0 $0x1  }
0x32: {  	[tilespmem:s22], [sflag:$0x2] =	stream.indirect.gather @!p0 [hbm4b:s4+s18], $0x80, s17, s18, $0xb8;
	[tilespmem:$0xA200] =	vst v63  }
0x33: {  	_ =	swait.ge @!p0 [sflag:s23], $0x5000  }
0x34: {  	[sflag:s23] =	ssyncset.done @!p0 $0x0  }
0x35: {  	[sflag:s23] =	ssyncadd.s32 @!p0 $0xFFFFB000  }
0x36: {  	[hbm4b:s12+s16] =	stream.linear.scatter @!p0 [tilespmem:s19], [sflag:$0x4], $0x5000, $0x38;
	[tilespmem:$0xA200] =	vst v63  }
0x37: {  	_ =	swait.ge @!p0 [sflag:s21], $0x5000  }
0x38: {  	[sflag:s21] =	ssyncset.done @!p0 $0x0  }
0x39: {  	s17 =	simm.s32 @!p0 $0x2;
	[sflag:s21] =	ssyncadd.s32 @!p0 $0xFFFFB000  }
.Ltmp0:
0x3a: {  	_ =	swait.ge @!p0 [sflag:s17], $0x5000;
	(pc) =	sbr.rel @p1 .LBB2_2-.Ltmp0, $4  }
0x3b: {  	s11 =	sadd.s32 $0xA00, s11;
	[sflag:s17] =	ssyncset.done @!p0 $0x0  }
0x3c: {  	s15 =	sadd.s32 $0x1, s15;
	[sflag:s17] =	ssyncadd.s32 @!p0 $0xFFFFB000;
	s17 =	simm.s32 @!p0 $0x3  }
0x3d: {  	[hbm4b:s20+s16] =	stream.linear.scatter @!p0 [tilespmem:s22], [sflag:$0x3], $0x5000, $0x38;
	[tilespmem:$0xA200] =	vst v63  }
0x3e: {  	p2 =	sgt.u32 s15, $0x7C;
	s12 =	sadd.s32 $0xA00, s12;
	_ =	swait.ge @!p0 [sflag:s17], $0x5000  }
0x3f: {  	s14 =	sadd.s32 @!p2 s13, s6;
	[sflag:s17] =	ssyncset.done @!p0 $0x0  }
0x40: {  	s15 =	simm.s32 @!p2 $0x0;
	s16 =	simm.s32 @!p2 $0x4;
	[sflag:s17] =	ssyncadd.s32 @!p0 $0xFFFFB000  }
0x41: {  	[tilespmem:s15], [sflag:$0x4] =	stream.linear.gather @!p2 [hbm4b:s14+s15], $0xA0, $0x38;
	[tilespmem:$0xA200] =	vst v63  }
0x42: {  	p0 =	por p2, p2;
	_ =	swait.ge @!p2 [sflag:s16], $0xA0  }
0x43: {  	[sflag:s16] =	ssyncset.done @!p0 $0x0  }
0x44: {  	s13 =	sadd.s32 @!p0 s13, s7;
	s14 =	simm.s32 @!p0 $0x100;
	[sflag:s16] =	ssyncadd.s32 @!p0 $0xFFFFFF60  }
0x45: {  	[tilespmem:s14], [sflag:$0x4] =	stream.linear.gather @!p0 [hbm4b:s13+s15], $0xA0, $0x38;
	[tilespmem:$0xA200] =	vst v63  }
0x46: {  	_ =	swait.ge @!p0 [sflag:s16], $0xA0  }
0x47: {  	[sflag:s16] =	ssyncset.done @!p0 $0x0  }
0x48: {  	s17 =	simm.s32 @!p0 $0x200;
	s13 =	simm.s32 @!p0 $0xA0;
	[sflag:s16] =	ssyncadd.s32 @!p0 $0xFFFFFF60  }
0x49: {  	[tilespmem:s17], [sflag:$0x1] =	stream.indirect.gather @!p0 [hbm4b:s3+s13], $0x80, s15, s13, $0xb8;
	[tilespmem:$0xA200] =	vst v63  }
0x4a: {  	s18 =	simm.s32 @!p0 $0x5200;
	s19 =	simm.s32 @!p0 $0x1  }
0x4b: {  	[tilespmem:s18], [sflag:$0x2] =	stream.indirect.gather @!p0 [hbm4b:s4+s13], $0x80, s14, s13, $0xb8;
	[tilespmem:$0xA200] =	vst v63  }
0x4c: {  	_ =	swait.ge @!p0 [sflag:s19], $0x5000  }
0x4d: {  	[sflag:s19] =	ssyncset.done @!p0 $0x0  }
0x4e: {  	[sflag:s19] =	ssyncadd.s32 @!p0 $0xFFFFB000  }
0x4f: {  	[hbm4b:s12+s15] =	stream.linear.scatter @!p0 [tilespmem:s17], [sflag:$0x4], $0x5000, $0x38;
	[tilespmem:$0xA200] =	vst v63  }
0x50: {  	_ =	swait.ge @!p0 [sflag:s16], $0x5000  }
0x51: {  	[sflag:s16] =	ssyncset.done @!p0 $0x0  }
0x52: {  	s12 =	simm.s32 @!p0 $0x2;
	[sflag:s16] =	ssyncadd.s32 @!p0 $0xFFFFB000  }
0x53: {  	s2 =	sadd.s32 $0x1, s2;
	_ =	swait.ge @!p0 [sflag:s12], $0x5000  }
0x54: {  	p1 =	sne.s32 s2, s5;
	[sflag:s12] =	ssyncset.done @!p0 $0x0  }
.Ltmp1:
0x55: {  	[sflag:s12] =	ssyncadd.s32 @!p0 $0xFFFFB000;
	s12 =	simm.s32 @!p0 $0x3;
	(pc) =	sbr.rel @p1 .LBB2_1-.Ltmp1, $4  }
0x56: {  	[hbm4b:s11+s15] =	stream.linear.scatter @!p0 [tilespmem:s18], [sflag:$0x3], $0x5000, $0x38;
	[tilespmem:$0xA200] =	vst v63  }
0x57: {  	_ =	swait.ge @!p0 [sflag:s12], $0x5000  }
0x58: {  	[sflag:s12] =	ssyncset.done @!p0 $0x0  }
0x59: {  	[sflag:s12] =	ssyncadd.s32 @!p0 $0xFFFFB000  }
0x5a: {  	_ =	sfence.sel $0x180000  }
0x5b: {  	[bflag:$0x0] =	sbarrier.arrive $0xFFFF  }
0x5c: {  	p0 =	sne.s32 s1, $0x0;
	_ =	strace $0x90000047  }
0x5d: {  	s0 =	sadd.s32 @!p0 $0x100000, s0;
	[bflag:$0x2] =	sbarrier.arrive $0xFFFF  }
0x5e: {  	[sflag:s0] =	ssyncadd.tile.s32 @!p0 $0x1;
	_ =	shalt  }
.Lfunc_end2:
_tile_overlayer_lowered:
.L_overlay_start_2:
0x5f: {  	(tag) =	ssettag $0x2  }
0x60: {  	s0 =	rddreg [dreg:$0x0];
	s2 =	stileid.u32  }
0x61: {  	s1 =	rddreg [dreg:$0x1];
	p0 =	sne.s32 s2, $0x0  }
0x62: {  	s3 =	rddreg [dreg:$0x2];
	[bflag:$0x3] =	sbarrier.arrive $0xFFFF;
	s2 =	simm.s32 @!p0 $0x1C03  }
0x63: {  	[timem:s3], [sflag:s2] =	dma.local @!p0 [hbm:s0], s1  }
0x64: {  	s0 =	simm.s32 @!p0 $0x3  }
0x65: {  	_ =	swait.ge @!p0 [sflag:s0], s1  }
0x66: {  	s1 =	ssub.s32 @!p0 $0x0, s1;
	[sflag:s0] =	ssyncset.done @!p0 $0x0  }
0x67: {  	[sflag:s0] =	ssyncadd.s32 @!p0 s1  }
0x68: {  	[bflag:$0x3] =	sbarrier.arrive $0xFFFF  }
0x69: {  	_ =	shalt  }

// kernel: kernel.20.cloned.1.call-start
scs
__scs_entry_jumppad:
0x0: {  	(pc) =	sbr.rel $0x88, $3  }
0x1: {  	(tag) =	ssettag $0x0;
	lr =	simm.s32 $0x1  }
0x2: {  	[smem:$0x3F97] =	sst lr;
	_ =	strace $0xD0000000  }
0x3: {  	_ = 	snop  }
0x4: {  	_ = 	snop  }
0x5: {  	_ = 	snop  }
0x6: {  	_ = 	snop  }
0x7: {  	_ = 	snop  }
__scs_overlays_trampoline_lowered:
0x8: {  	[smem:$0x3FA6] =	sst s0  }
0x9: {  	[smem:$0x3FA7] =	sst s1  }
0xa: {  	[smem:$0x3FA8] =	sst s2  }
0xb: {  	[smem:$0x3FA9] =	sst s3  }
0xc: {  	[smem:$0x3FAA] =	sst s4  }
0xd: {  	[smem:$0x3FAB] =	sst s5  }
0xe: {  	[smem:$0x3FAC] =	sst s6  }
0xf: {  	[smem:$0x3FAD] =	sst s7  }
0x10: {  	[smem:$0x3FAE] =	sst s8  }
0x11: {  	[smem:$0x3FAF] =	sst s9;
	s0 =	simm.s32 @!p0 $0x0  }
0x12: {  	s1 =	sld [smem:$0x3F95];
	s0 =	simm.s32 @p0 $0x1  }
0x13: {  	[smem:$0x3FB0] =	sst s0;
	s0 =	simm.s32 @!p1 $0x0  }
0x14: {  	s2 =	sld [smem:$0x3F94];
	s0 =	simm.s32 @p1 $0x1  }
0x15: {  	[smem:$0x3FB1] =	sst s0;
	s0 =	simm.s32 @!p2 $0x0  }
0x16: {  	s3 =	sld [smem:$0x3FDB];
	s0 =	simm.s32 @p2 $0x1  }
0x17: {  	s4 =	simm.s32 $0x1BF5;
	[smem:$0x3FB3] =	sst s0  }
0x18: {  	s0 =	sld [smem:$0x3F96];
	_ =	swait.ge [sflag:s4], $0x0  }
0x19: {  	s7 =	sld [smem:$0x3F97]  }
0x1a: {  	s8 =	sadd.s32 $0xFFFFE003, lr  }
0x1b: {  	s9 =	sadd.s32 $0xFFFFFEF7, lr;
	s5 =	simm.s32 $0xFFFFFFFF;
	p2 =	slt.u32 s8, $0xFFFFF086  }
0x1c: {  	p1 =	slt.u32 s9, $0xF7A;
	s5 =	simm.s32 @!p2 $0x0  }
0x1d: {  	s5 =	simm.s32 @p1 $0x1;
	p0 =	seq.s32 s7, s2  }
0x1e: {  	s7 =	smul.u32 @!p0 $0xF7A, s2;
	p2 =	seq.s32 @!p0 s5, $0x0  }
0x1f: {  	s9 =	smul.u32 $0xF7A, s1;
	s8 =	simm.s32 @!p0 $0x1BF5;
	p2 =	por !p2, p0  }
0x20: {  	[sflag:s8] =	ssyncset.s32 @!p0 $0xFFFFF086;
	s6 =	sadd.s32 @!p0 s3, s7;
	s7 =	simm.s32 @!p0 $0x108  }
0x21: {  	s3 =	sadd.s32 s3, s9;
	s6 =	sadd.s32 @!p0 $0x88, s6;
	s7 =	simm.s32 @p2 $0x1082  }
0x22: {  	[simem:s7], [sflag:s8] =	dma.local @!p0 [hbm:s6], $0xF7A  }
0x23: {  	s9 =	sor.u32 $0xD0000000, s2;
	s6 =	simm.s32 $0x108;
	_ =	swait.ge @!p0 [sflag:s8], $0x0  }
0x24: {  	s3 =	sadd.s32 $0x88, s3;
	s6 =	simm.s32 @!p1 $0x1082;
	[sflag:s4] =	ssyncset.s32 $0xFFFFF086  }
0x25: {  	[simem:s6], [sflag:s4] =	dma.local [hbm:s3], $0xF7A  }
0x26: {  	[smem:$0x3F97] =	sst s1;
	(tag) =	ssettag s2;
	_ =	strace s9  }
0x27: {  	s1 =	sld [smem:$0x3FA7]  }
0x28: {  	s2 =	sld [smem:$0x3FA8]  }
0x29: {  	s4 =	sld [smem:$0x3FAA]  }
0x2a: {  	p0 =	seq.s32 s5, $0x0;
	s5 =	sld [smem:$0x3FAB]  }
0x2b: {  	s6 =	sld [smem:$0x3FAC]  }
0x2c: {  	s7 =	sld [smem:$0x3FAD]  }
0x2d: {  	s3 =	simm.s32 $0x108;
	s8 =	sld [smem:$0x3FAE]  }
0x2e: {  	s3 =	simm.s32 @!p0 $0x1082;
	s9 =	sld [smem:$0x3FAF]  }
0x2f: {  	lr =	sadd.s32 s0, s3;
	s0 =	sld [smem:$0x3FA6]  }
0x30: {  	s3 =	sld [smem:$0x3FA9]  }
0x31: {  	[smem:$0x3FB2] =	sst s10  }
0x32: {  	s10 =	sld [smem:$0x3FB0];
	_ =	sdelay $0x3  }
0x33: {  	p0 =	seq.s32 s10, $0x1;
	s10 =	sld [smem:$0x3FB2];
	_ =	sdelay $0x3  }
0x34: {  	[smem:$0x3FB2] =	sst s10  }
0x35: {  	s10 =	sld [smem:$0x3FB1];
	_ =	sdelay $0x3  }
0x36: {  	p1 =	seq.s32 s10, $0x1;
	s10 =	sld [smem:$0x3FB2];
	_ =	sdelay $0x3  }
0x37: {  	[smem:$0x3FB2] =	sst s10  }
0x38: {  	s10 =	sld [smem:$0x3FB3]  }
0x39: {  	_ = 	snop;
	(pc) =	sbr.ind lr, $3  }
0x3a: {  	_ = 	snop  }
0x3b: {  	_ = 	snop  }
0x3c: {  	p2 =	seq.s32 s10, $0x1;
	s10 =	sld [smem:$0x3FB2]  }
0x3d: {  	_ =	shalt  }
0x3e: {  	_ =	shalt  }
0x3f: {  	_ =	shalt  }
0x40: {  	_ =	shalt  }
0x41: {  	_ =	shalt  }
0x42: {  	_ =	shalt  }
0x43: {  	_ =	shalt  }
0x44: {  	_ =	shalt  }
0x45: {  	_ =	shalt  }
0x46: {  	_ =	shalt  }
0x47: {  	_ =	shalt  }
0x48: {  	_ =	shalt  }
0x49: {  	_ =	shalt  }
0x4a: {  	_ =	shalt  }
0x4b: {  	_ =	shalt  }
0x4c: {  	_ =	shalt  }
0x4d: {  	_ =	shalt  }
0x4e: {  	_ =	shalt  }
0x4f: {  	_ =	shalt  }
0x50: {  	_ =	shalt  }
0x51: {  	_ =	shalt  }
0x52: {  	_ =	shalt  }
0x53: {  	_ =	shalt  }
0x54: {  	_ =	shalt  }
0x55: {  	_ =	shalt  }
0x56: {  	_ =	shalt  }
0x57: {  	_ =	shalt  }
0x58: {  	_ =	shalt  }
0x59: {  	_ =	shalt  }
0x5a: {  	_ =	shalt  }
0x5b: {  	_ =	shalt  }
0x5c: {  	_ =	shalt  }
0x5d: {  	_ =	shalt  }
0x5e: {  	_ =	shalt  }
0x5f: {  	_ =	shalt  }
0x60: {  	_ =	shalt  }
0x61: {  	_ =	shalt  }
0x62: {  	_ =	shalt  }
0x63: {  	_ =	shalt  }
0x64: {  	_ =	shalt  }
0x65: {  	_ =	shalt  }
0x66: {  	_ =	shalt  }
0x67: {  	_ =	shalt  }
0x68: {  	_ =	shalt  }
0x69: {  	_ =	shalt  }
0x6a: {  	_ =	shalt  }
0x6b: {  	_ =	shalt  }
0x6c: {  	_ =	shalt  }
0x6d: {  	_ =	shalt  }
0x6e: {  	_ =	shalt  }
0x6f: {  	_ =	shalt  }
0x70: {  	_ =	shalt  }
0x71: {  	_ =	shalt  }
0x72: {  	_ =	shalt  }
0x73: {  	_ =	shalt  }
0x74: {  	_ =	shalt  }
0x75: {  	_ =	shalt  }
0x76: {  	_ =	shalt  }
0x77: {  	_ =	shalt  }
0x78: {  	_ =	shalt  }
0x79: {  	_ =	shalt  }
0x7a: {  	_ =	shalt  }
0x7b: {  	_ =	shalt  }
0x7c: {  	_ =	shalt  }
0x7d: {  	_ =	shalt  }
0x7e: {  	_ =	shalt  }
0x7f: {  	_ =	shalt  }
0x80: {  	_ =	shalt  }
0x81: {  	_ =	shalt  }
0x82: {  	_ =	shalt  }
0x83: {  	_ =	shalt  }
0x84: {  	_ =	shalt  }
0x85: {  	_ =	shalt  }
0x86: {  	_ =	shalt  }
0x87: {  	_ =	shalt  }
.Lfunc_end0:
.L_simem_size_0:
called_computation.2_lowered:
.L_overlay_start_0:
0x88: {  	s2 =	sld [smem:$0x3FD9]  }
0x89: {  	s3 =	sld [smem:$0x3FFE];
	_ =	sdelay $0x1  }
0x8a: {  	s1 =	srdreg.scid  }
0x8b: {  	s0 =	sand.u32 $0x1, s1  }
0x8c: {  	s17 =	sshll.u32 s0, $0xA;
	s2 =	sadd.s32 s3, s2  }
0x8d: {  	s2 =	sadd.s32 s2, s17  }
0x8e: {  	[smem:$0x3FBE] =	sst s2  }
0x8f: {  	_ = 	snop  }
0x90: {  	(tm) =	ssettm $0x1  }
0x91: {  	s18 =	sld [smem:$0x3FFB];
	_ =	sdelay $0x3  }
0x92: {  	_ =	strace s18  }
0x93: {  	s2 =	sld [smem:$0x3FFC];
	_ =	sdelay $0x3  }
0x94: {  	_ =	strace s2  }
0x95: {  	s2 =	sld [smem:$0x3FFD];
	_ =	sdelay $0x3  }
0x96: {  	_ =	strace s2  }
0x97: {  	_ =	strace $0x8FFFFFFF  }
0x98: {  	s19 =	sld [smem:$0x3FDB];
	_ =	sdelay $0x1  }
0x99: {  	s20 =	simm.s32 $_scs_section_size  }
0x9a: {  	s4 =	simm.s32 $_size__tile_overlayer_lowered;
	s5 =	simm.s32 $_tile_overlayer_lowered  }
0x9b: {  	s6 =	simm.s32 $0x1BFF;
	s21 =	sshll.u32 s5, $0x1;
	s3 =	sadd.s32 s20, s19  }
0x9c: {  	s22 =	simm.s32 $0x0;
	s4 =	sshll.u32 s4, $0x1;
	s5 =	sadd.s32 s21, s3  }
0x9d: {  	[timem:s22], [sflag:s6] =	dma.local [hbm:s5], s4  }
0x9e: {  	_ =	swait.ge [sflag:s6], s4  }
0x9f: {  	s4 =	ssub.s32 $0x0, s4;
	[sflag:s6] =	ssyncset.done $0x0  }
0xa0: {  	[sflag:s6] =	ssyncadd.s32 s4;
	_ =	sdelay $0x1  }
0xa1: {  	s23 =	simm.s32 $0x1B8B  }
0xa2: {  	_ =	swait.ge [sflag:s23], $0x1  }
0xa3: {  	[sflag:s23] =	ssyncset.done $0x0  }
0xa4: {  	[sflag:s23] =	ssyncadd.s32 $0xFFFFFFFF  }
0xa5: {  	s4 =	sld [smem:$0x0]  }
0xa6: {  	s5 =	sand.u32 $0xFFFFFFFE, s1  }
0xa7: {  	p0 =	sne.s32 s1, s5  }
0xa8: {  	s5 =	sshll.u32 @p0 s5, $0xE  }
0xa9: {  	s5 =	sadd.s32 @p0 $0x11B8D, s5;
	s6 =	sshll.u32 @p0 s4, $0x11  }
0xaa: {  	s5 =	sor.u32 @p0 s6, s5  }
0xab: {  	[sflag:s5] =	ssyncadd.remote.s32 @p0 $0x1;
	_ =	sdelay $0x1  }
0xac: {  	s5 =	simm.s32 @p0 $0x1B8D  }
0xad: {  	_ =	swait.eq @p0 [sflag:s5], $0x1  }
0xae: {  	[sflag:s5] =	ssyncadd.s32 @p0 $0xFFFFFFFF  }
0xaf: {  	s6 =	sshll.u32 @!p0 s1, $0xE  }
0xb0: {  	s6 =	sor.u32 @!p0 $0x4000, s6;
	s5 =	simm.s32 @!p0 $0x1B8D  }
0xb1: {  	s4 =	sshll.u32 @!p0 s4, $0x11;
	s6 =	sadd.s32 @!p0 $0x11B8D, s6;
	_ =	swait.eq @!p0 [sflag:s5], $0x1  }
0xb2: {  	s4 =	sor.u32 @!p0 s4, s6;
	[sflag:s5] =	ssyncadd.s32 @!p0 $0xFFFFFFFF  }
0xb3: {  	s25 =	simm.s32 $0x1B8E;
	s24 =	sld [smem:$0x3FFE];
	[sflag:s4] =	ssyncadd.remote.s32 @!p0 $0x1  }
0xb4: {  	s26 =	simm.s32 $execute0_lowered;
	[smem:$0x3FD2] =	sst s25  }
0xb5: {  	s5 =	sshll.u32 s26, $0x1;
	_ =	strace $0x8000004C;
	[dreg:$0x1] =	wrdreg $0xFFFFFFFF  }
0xb6: {  	s28 =	simm.s32 $_size_execute0_lowered;
	s3 =	sadd.s32 s3, s5;
	[dreg:$0x0] =	wrdreg $0x0  }
0xb7: {  	s5 =	sshll.u32 s28, $0x1;
	[dreg:$0x2] =	wrdreg s3  }
0xb8: {  	[dreg:$0x3] =	wrdreg s5  }
0xb9: {  	[dreg:$0x4] =	wrdreg $0xC0  }
0xba: {  	_ =	task [dreg:s22], $0x5FFFF  }
0xbb: {  	[dreg:$0x1] =	wrdreg $0xFFFFFFFF  }
0xbc: {  	[dreg:$0x0] =	wrdreg $0x60  }
0xbd: {  	[dreg:$0x2] =	wrdreg s24  }
0xbe: {  	[dreg:$0x3] =	wrdreg $0xB  }
0xbf: {  	_ =	task.clear_ibuf [dreg:s22], $0x4FFFF;
	_ =	strace $0x9000004C  }
0xc0: {  	s29 =	simm.s32 $0xB;
	_ =	strace $0x8000004E  }
0xc1: {  	_ =	swait.ge [sflag:s29], $0x1  }
0xc2: {  	[sflag:s29] =	ssyncadd.s32 $0xFFFFFFFF  }
0xc3: {  	_ =	strace $0x9000004E  }
0xc4: {  	_ =	sfence  }
0xc5: {  	s30 =	sld [smem:$0x0];
	_ =	sdelay $0x2  }
0xc6: {  	s31 =	sshll.u32 s1, $0xD;
	s1 =	sshrl.u32 s1, $0x2  }
0xc7: {  	s4 =	sand.u32 $0x4000, s31;
	s1 =	sadd.s32 s1, s30  }
0xc8: {  	s0 =	sor.u32 s4, s0;
	s1 =	sshll.u32 s1, $0x11  }
0xc9: {  	s0 =	sor.u32 s1, s0  }
0xca: {  	s0 =	sadd.s32 $0x8F2B, s0  }
0xcb: {  	[sflag:s0] =	ssyncadd.remote.s32 $0x1  }
0xcc: {  	_ =	sfence.sel $0xFFFF  }
0xcd: {  	[dreg:$0x0] =	wrdreg $0xFFFFFFFF;
	(pc) =	sbr.abs _section_cstart, $3  }
0xce: {  	[dreg:$0x1] =	wrdreg $0xFFFFFFFF  }
0xcf: {  	_ =	task.clear_ibuf [dreg:s22], $0x2FFFF;
	_ =	strace $0x9FFFFFFF  }
0xd0: {  	(tm) =	ssettm $0x7FFFFFFF  }
0xd1: {  	_ =	shalt  }
tec
execute0_lowered:
.L_overlay_start_1:
0x0: {  	(tag) =	ssettag $0x1  }
0x1: {  	s5 =	rddreg [dreg:$0x0]  }
0x2: {  	s0 =	rddreg [dreg:$0x1];
	s1 =	stileid.u32  }
0x3: {  	s2 =	simm.s32 $0x0;
	s4 =	srdreg.scid;
	s3 =	smul.u32 $0xA0, s1  }
0x4: {  	[smem:$0x7FF] =	sst s2;
	s7 =	smul.u32 $0x5000, s1  }
0x5: {  	s8 =	sand.u32 $0x1, s4;
	s4 =	sadd.s32 $0xC6E00, s5;
	s11 =	sshll.u32 s1, $0x3  }
0x6: {  	_ =	strace $0x8000004D;
	s9 =	ssub.s32 $0x2, s8;
	s30 =	smul.u32 $0x50, s8  }
0x7: {  	s31 =	smul.u32 $0x2800, s8;
	s12 =	sshll.u32 s8, $0x2;
	s6 =	sadd.s32 s3, s5  }
0x8: {  	s3 =	sadd.s32 $0x3800, s5;
	s10 =	sadd.s32 s7, s5;
	s29 =	sshrl.u32 s9, $0x1  }
0x9: {  	s5 =	ssub.s32 s9, s29;
	s7 =	sadd.s32 s30, s6;
	s9 =	sadd.s32 s31, s10  }
0xa: {  	s10 =	sor.u32 s12, s11;
	s6 =	sadd.s32 $0x18D600, s7;
	s7 =	sadd.s32 $0x18CC00, s7  }
0xb: {  	s5 =	smax.u32 s5, $0x1;
	s8 =	sadd.s32 $0x2C8600, s9;
	s9 =	sadd.s32 $0x316800, s9  }
.LBB2_1:
0xc: {  	p0 =	sgt.u32 s10, $0x7C  }
0xd: {  	s11 =	sadd.s32 @!p0 $0x0, s6;
	s12 =	simm.s32 @!p0 $0x0;
	s13 =	simm.s32 @!p0 $0x4  }
0xe: {  	[tilespmem:s12], [sflag:$0x4] =	stream.linear.gather @!p0 [hbm4b:s11+s12], $0xA0, $0x38;
	[tilespmem:$0xA200] =	vst v63  }
0xf: {  	_ =	swait.ge @!p0 [sflag:s13], $0xA0;
	p0 =	por p0, p0  }
0x10: {  	[sflag:s13] =	ssyncset.done @!p0 $0x0  }
0x11: {  	s11 =	sadd.s32 @!p0 $0x0, s7;
	s14 =	simm.s32 @!p0 $0x100;
	[sflag:s13] =	ssyncadd.s32 @!p0 $0xFFFFFF60  }
0x12: {  	[tilespmem:s14], [sflag:$0x4] =	stream.linear.gather @!p0 [hbm4b:s11+s12], $0xA0, $0x38;
	[tilespmem:$0xA200] =	vst v63  }
0x13: {  	_ =	swait.ge @!p0 [sflag:s13], $0xA0  }
0x14: {  	[sflag:s13] =	ssyncset.done @!p0 $0x0  }
0x15: {  	s15 =	simm.s32 @!p0 $0x200;
	s11 =	simm.s32 @!p0 $0xA0;
	[sflag:s13] =	ssyncadd.s32 @!p0 $0xFFFFFF60  }
0x16: {  	[tilespmem:s15], [sflag:$0x1] =	stream.indirect.gather @!p0 [hbm4b:s3+s11], $0x80, s12, s11, $0xb8;
	[tilespmem:$0xA200] =	vst v63  }
0x17: {  	s16 =	simm.s32 @!p0 $0x5200;
	s17 =	simm.s32 @!p0 $0x1  }
0x18: {  	[tilespmem:s16], [sflag:$0x2] =	stream.indirect.gather @!p0 [hbm4b:s4+s11], $0x80, s14, s11, $0xb8;
	[tilespmem:$0xA200] =	vst v63  }
0x19: {  	_ =	swait.ge @!p0 [sflag:s17], $0x5000  }
0x1a: {  	[sflag:s17] =	ssyncset.done @!p0 $0x0  }
0x1b: {  	[sflag:s17] =	ssyncadd.s32 @!p0 $0xFFFFB000  }
0x1c: {  	[hbm4b:s8+s12] =	stream.linear.scatter @!p0 [tilespmem:s15], [sflag:$0x4], $0x5000, $0x38;
	[tilespmem:$0xA200] =	vst v63  }
0x1d: {  	_ =	swait.ge @!p0 [sflag:s13], $0x5000  }
0x1e: {  	[sflag:s13] =	ssyncset.done @!p0 $0x0  }
0x1f: {  	s11 =	simm.s32 @!p0 $0x2;
	[sflag:s13] =	ssyncadd.s32 @!p0 $0xFFFFB000  }
0x20: {  	s14 =	simm.s32 $0x28;
	_ =	swait.ge @!p0 [sflag:s11], $0x5000  }
0x21: {  	s17 =	simm.s32 @!p0 $0x3;
	s15 =	sadd.s32 $0x1, s10;
	[sflag:s11] =	ssyncset.done @!p0 $0x0  }
0x22: {  	p2 =	sgt.u32 s15, $0x7C;
	s13 =	simm.s32 $0x14;
	[sflag:s11] =	ssyncadd.s32 @!p0 $0xFFFFB000  }
0x23: {  	[hbm4b:s9+s12] =	stream.linear.scatter @!p0 [tilespmem:s16], [sflag:$0x3], $0x5000, $0x38;
	[tilespmem:$0xA200] =	vst v63  }
0x24: {  	s11 =	sadd.s32 $0xA00, s9;
	s12 =	sadd.s32 $0xA00, s8;
	_ =	swait.ge @!p0 [sflag:s17], $0x5000  }
.LBB2_2:
0x25: {  	s18 =	sadd.s32 @!p2 s13, s6;
	s16 =	simm.s32 @!p2 $0x0  }
0x26: {  	[sflag:s17] =	ssyncset.done @!p0 $0x0;
	s19 =	smov.u32 s14;
	s20 =	smov.u32 s11  }
0x27: {  	s14 =	sadd.s32 $0x14, s14;
	s21 =	simm.s32 @!p2 $0x4;
	[sflag:s17] =	ssyncadd.s32 @!p0 $0xFFFFB000  }
0x28: {  	[tilespmem:s16], [sflag:$0x4] =	stream.linear.gather @!p2 [hbm4b:s18+s16], $0xA0, $0x38;
	[tilespmem:$0xA200] =	vst v63  }
0x29: {  	p1 =	sne.s32 s14, $0x50;
	p0 =	por p2, p2;
	_ =	swait.ge @!p2 [sflag:s21], $0xA0  }
0x2a: {  	[sflag:s21] =	ssyncset.done @!p0 $0x0  }
0x2b: {  	s13 =	sadd.s32 @!p0 s13, s7;
	s17 =	simm.s32 @!p0 $0x100;
	[sflag:s21] =	ssyncadd.s32 @!p0 $0xFFFFFF60  }
0x2c: {  	[tilespmem:s17], [sflag:$0x4] =	stream.linear.gather @!p0 [hbm4b:s13+s16], $0xA0, $0x38;
	[tilespmem:$0xA200] =	vst v63  }
0x2d: {  	s13 =	smov.u32 s19;
	_ =	swait.ge @!p0 [sflag:s21], $0xA0  }
0x2e: {  	[sflag:s21] =	ssyncset.done @!p0 $0x0  }
0x2f: {  	s18 =	simm.s32 @!p0 $0xA0;
	s19 =	simm.s32 @!p0 $0x200;
	[sflag:s21] =	ssyncadd.s32 @!p0 $0xFFFFFF60  }
0x30: {  	[tilespmem:s19], [sflag:$0x1] =	stream.indirect.gather @!p0 [hbm4b:s3+s18], $0x80, s16, s18, $0xb8;
	[tilespmem:$0xA200] =	vst v63  }
0x31: {  	s22 =	simm.s32 @!p0 $0x5200;
	s23 =	simm.s32 @!p0 $0x1  }
0x32: {  	[tilespmem:s22], [sflag:$0x2] =	stream.indirect.gather @!p0 [hbm4b:s4+s18], $0x80, s17, s18, $0xb8;
	[tilespmem:$0xA200] =	vst v63  }
0x33: {  	_ =	swait.ge @!p0 [sflag:s23], $0x5000  }
0x34: {  	[sflag:s23] =	ssyncset.done @!p0 $0x0  }
0x35: {  	[sflag:s23] =	ssyncadd.s32 @!p0 $0xFFFFB000  }
0x36: {  	[hbm4b:s12+s16] =	stream.linear.scatter @!p0 [tilespmem:s19], [sflag:$0x4], $0x5000, $0x38;
	[tilespmem:$0xA200] =	vst v63  }
0x37: {  	_ =	swait.ge @!p0 [sflag:s21], $0x5000  }
0x38: {  	[sflag:s21] =	ssyncset.done @!p0 $0x0  }
0x39: {  	s17 =	simm.s32 @!p0 $0x2;
	[sflag:s21] =	ssyncadd.s32 @!p0 $0xFFFFB000  }
.Ltmp0:
0x3a: {  	_ =	swait.ge @!p0 [sflag:s17], $0x5000;
	(pc) =	sbr.rel @p1 .LBB2_2-.Ltmp0, $4  }
0x3b: {  	s11 =	sadd.s32 $0xA00, s11;
	[sflag:s17] =	ssyncset.done @!p0 $0x0  }
0x3c: {  	s15 =	sadd.s32 $0x1, s15;
	[sflag:s17] =	ssyncadd.s32 @!p0 $0xFFFFB000;
	s17 =	simm.s32 @!p0 $0x3  }
0x3d: {  	[hbm4b:s20+s16] =	stream.linear.scatter @!p0 [tilespmem:s22], [sflag:$0x3], $0x5000, $0x38;
	[tilespmem:$0xA200] =	vst v63  }
0x3e: {  	p2 =	sgt.u32 s15, $0x7C;
	s12 =	sadd.s32 $0xA00, s12;
	_ =	swait.ge @!p0 [sflag:s17], $0x5000  }
0x3f: {  	s14 =	sadd.s32 @!p2 s13, s6;
	[sflag:s17] =	ssyncset.done @!p0 $0x0  }
0x40: {  	s15 =	simm.s32 @!p2 $0x0;
	s16 =	simm.s32 @!p2 $0x4;
	[sflag:s17] =	ssyncadd.s32 @!p0 $0xFFFFB000  }
0x41: {  	[tilespmem:s15], [sflag:$0x4] =	stream.linear.gather @!p2 [hbm4b:s14+s15], $0xA0, $0x38;
	[tilespmem:$0xA200] =	vst v63  }
0x42: {  	p0 =	por p2, p2;
	_ =	swait.ge @!p2 [sflag:s16], $0xA0  }
0x43: {  	[sflag:s16] =	ssyncset.done @!p0 $0x0  }
0x44: {  	s13 =	sadd.s32 @!p0 s13, s7;
	s14 =	simm.s32 @!p0 $0x100;
	[sflag:s16] =	ssyncadd.s32 @!p0 $0xFFFFFF60  }
0x45: {  	[tilespmem:s14], [sflag:$0x4] =	stream.linear.gather @!p0 [hbm4b:s13+s15], $0xA0, $0x38;
	[tilespmem:$0xA200] =	vst v63  }
0x46: {  	_ =	swait.ge @!p0 [sflag:s16], $0xA0  }
0x47: {  	[sflag:s16] =	ssyncset.done @!p0 $0x0  }
0x48: {  	s17 =	simm.s32 @!p0 $0x200;
	s13 =	simm.s32 @!p0 $0xA0;
	[sflag:s16] =	ssyncadd.s32 @!p0 $0xFFFFFF60  }
0x49: {  	[tilespmem:s17], [sflag:$0x1] =	stream.indirect.gather @!p0 [hbm4b:s3+s13], $0x80, s15, s13, $0xb8;
	[tilespmem:$0xA200] =	vst v63  }
0x4a: {  	s18 =	simm.s32 @!p0 $0x5200;
	s19 =	simm.s32 @!p0 $0x1  }
0x4b: {  	[tilespmem:s18], [sflag:$0x2] =	stream.indirect.gather @!p0 [hbm4b:s4+s13], $0x80, s14, s13, $0xb8;
	[tilespmem:$0xA200] =	vst v63  }
0x4c: {  	_ =	swait.ge @!p0 [sflag:s19], $0x5000  }
0x4d: {  	[sflag:s19] =	ssyncset.done @!p0 $0x0  }
0x4e: {  	[sflag:s19] =	ssyncadd.s32 @!p0 $0xFFFFB000  }
0x4f: {  	[hbm4b:s12+s15] =	stream.linear.scatter @!p0 [tilespmem:s17], [sflag:$0x4], $0x5000, $0x38;
	[tilespmem:$0xA200] =	vst v63  }
0x50: {  	_ =	swait.ge @!p0 [sflag:s16], $0x5000  }
0x51: {  	[sflag:s16] =	ssyncset.done @!p0 $0x0  }
0x52: {  	s12 =	simm.s32 @!p0 $0x2;
	[sflag:s16] =	ssyncadd.s32 @!p0 $0xFFFFB000  }
0x53: {  	s2 =	sadd.s32 $0x1, s2;
	_ =	swait.ge @!p0 [sflag:s12], $0x5000  }
0x54: {  	p1 =	sne.s32 s2, s5;
	[sflag:s12] =	ssyncset.done @!p0 $0x0  }
.Ltmp1:
0x55: {  	[sflag:s12] =	ssyncadd.s32 @!p0 $0xFFFFB000;
	s12 =	simm.s32 @!p0 $0x3;
	(pc) =	sbr.rel @p1 .LBB2_1-.Ltmp1, $4  }
0x56: {  	[hbm4b:s11+s15] =	stream.linear.scatter @!p0 [tilespmem:s18], [sflag:$0x3], $0x5000, $0x38;
	[tilespmem:$0xA200] =	vst v63  }
0x57: {  	_ =	swait.ge @!p0 [sflag:s12], $0x5000  }
0x58: {  	[sflag:s12] =	ssyncset.done @!p0 $0x0  }
0x59: {  	[sflag:s12] =	ssyncadd.s32 @!p0 $0xFFFFB000  }
0x5a: {  	_ =	sfence.sel $0x180000  }
0x5b: {  	[bflag:$0x0] =	sbarrier.arrive $0xFFFF  }
0x5c: {  	p0 =	sne.s32 s1, $0x0;
	_ =	strace $0x9000004D  }
0x5d: {  	s0 =	sadd.s32 @!p0 $0x100000, s0;
	[bflag:$0x2] =	sbarrier.arrive $0xFFFF  }
0x5e: {  	[sflag:s0] =	ssyncadd.tile.s32 @!p0 $0x1;
	_ =	shalt  }
.Lfunc_end2:
_tile_overlayer_lowered:
.L_overlay_start_2:
0x5f: {  	(tag) =	ssettag $0x2  }
0x60: {  	s0 =	rddreg [dreg:$0x0];
	s2 =	stileid.u32  }
0x61: {  	s1 =	rddreg [dreg:$0x1];
	p0 =	sne.s32 s2, $0x0  }
0x62: {  	s3 =	rddreg [dreg:$0x2];
	[bflag:$0x3] =	sbarrier.arrive $0xFFFF;
	s2 =	simm.s32 @!p0 $0x1C03  }
0x63: {  	[timem:s3], [sflag:s2] =	dma.local @!p0 [hbm:s0], s1  }
0x64: {  	s0 =	simm.s32 @!p0 $0x3  }
0x65: {  	_ =	swait.ge @!p0 [sflag:s0], s1  }
0x66: {  	s1 =	ssub.s32 @!p0 $0x0, s1;
	[sflag:s0] =	ssyncset.done @!p0 $0x0  }
0x67: {  	[sflag:s0] =	ssyncadd.s32 @!p0 s1  }
0x68: {  	[bflag:$0x3] =	sbarrier.arrive $0xFFFF  }
0x69: {  	_ =	shalt  }

// kernel: kernel.23.cloned.1.call-start
scs
__scs_entry_jumppad:
0x0: {  	(pc) =	sbr.rel $0x88, $3  }
0x1: {  	(tag) =	ssettag $0x0;
	lr =	simm.s32 $0x1  }
0x2: {  	[smem:$0x3F97] =	sst lr;
	_ =	strace $0xD0000000  }
0x3: {  	_ = 	snop  }
0x4: {  	_ = 	snop  }
0x5: {  	_ = 	snop  }
0x6: {  	_ = 	snop  }
0x7: {  	_ = 	snop  }
__scs_overlays_trampoline_lowered:
0x8: {  	[smem:$0x3FA6] =	sst s0  }
0x9: {  	[smem:$0x3FA7] =	sst s1  }
0xa: {  	[smem:$0x3FA8] =	sst s2  }
0xb: {  	[smem:$0x3FA9] =	sst s3  }
0xc: {  	[smem:$0x3FAA] =	sst s4  }
0xd: {  	[smem:$0x3FAB] =	sst s5  }
0xe: {  	[smem:$0x3FAC] =	sst s6  }
0xf: {  	[smem:$0x3FAD] =	sst s7  }
0x10: {  	[smem:$0x3FAE] =	sst s8  }
0x11: {  	[smem:$0x3FAF] =	sst s9;
	s0 =	simm.s32 @!p0 $0x0  }
0x12: {  	s1 =	sld [smem:$0x3F95];
	s0 =	simm.s32 @p0 $0x1  }
0x13: {  	[smem:$0x3FB0] =	sst s0;
	s0 =	simm.s32 @!p1 $0x0  }
0x14: {  	s2 =	sld [smem:$0x3F94];
	s0 =	simm.s32 @p1 $0x1  }
0x15: {  	[smem:$0x3FB1] =	sst s0;
	s0 =	simm.s32 @!p2 $0x0  }
0x16: {  	s3 =	sld [smem:$0x3FDB];
	s0 =	simm.s32 @p2 $0x1  }
0x17: {  	s4 =	simm.s32 $0x1BF5;
	[smem:$0x3FB3] =	sst s0  }
0x18: {  	s0 =	sld [smem:$0x3F96];
	_ =	swait.ge [sflag:s4], $0x0  }
0x19: {  	s7 =	sld [smem:$0x3F97]  }
0x1a: {  	s8 =	sadd.s32 $0xFFFFE003, lr  }
0x1b: {  	s9 =	sadd.s32 $0xFFFFFEF7, lr;
	s5 =	simm.s32 $0xFFFFFFFF;
	p2 =	slt.u32 s8, $0xFFFFF086  }
0x1c: {  	p1 =	slt.u32 s9, $0xF7A;
	s5 =	simm.s32 @!p2 $0x0  }
0x1d: {  	s5 =	simm.s32 @p1 $0x1;
	p0 =	seq.s32 s7, s2  }
0x1e: {  	s7 =	smul.u32 @!p0 $0xF7A, s2;
	p2 =	seq.s32 @!p0 s5, $0x0  }
0x1f: {  	s9 =	smul.u32 $0xF7A, s1;
	s8 =	simm.s32 @!p0 $0x1BF5;
	p2 =	por !p2, p0  }
0x20: {  	[sflag:s8] =	ssyncset.s32 @!p0 $0xFFFFF086;
	s6 =	sadd.s32 @!p0 s3, s7;
	s7 =	simm.s32 @!p0 $0x108  }
0x21: {  	s3 =	sadd.s32 s3, s9;
	s6 =	sadd.s32 @!p0 $0x88, s6;
	s7 =	simm.s32 @p2 $0x1082  }
0x22: {  	[simem:s7], [sflag:s8] =	dma.local @!p0 [hbm:s6], $0xF7A  }
0x23: {  	s9 =	sor.u32 $0xD0000000, s2;
	s6 =	simm.s32 $0x108;
	_ =	swait.ge @!p0 [sflag:s8], $0x0  }
0x24: {  	s3 =	sadd.s32 $0x88, s3;
	s6 =	simm.s32 @!p1 $0x1082;
	[sflag:s4] =	ssyncset.s32 $0xFFFFF086  }
0x25: {  	[simem:s6], [sflag:s4] =	dma.local [hbm:s3], $0xF7A  }
0x26: {  	[smem:$0x3F97] =	sst s1;
	(tag) =	ssettag s2;
	_ =	strace s9  }
0x27: {  	s1 =	sld [smem:$0x3FA7]  }
0x28: {  	s2 =	sld [smem:$0x3FA8]  }
0x29: {  	s4 =	sld [smem:$0x3FAA]  }
0x2a: {  	p0 =	seq.s32 s5, $0x0;
	s5 =	sld [smem:$0x3FAB]  }
0x2b: {  	s6 =	sld [smem:$0x3FAC]  }
0x2c: {  	s7 =	sld [smem:$0x3FAD]  }
0x2d: {  	s3 =	simm.s32 $0x108;
	s8 =	sld [smem:$0x3FAE]  }
0x2e: {  	s3 =	simm.s32 @!p0 $0x1082;
	s9 =	sld [smem:$0x3FAF]  }
0x2f: {  	lr =	sadd.s32 s0, s3;
	s0 =	sld [smem:$0x3FA6]  }
0x30: {  	s3 =	sld [smem:$0x3FA9]  }
0x31: {  	[smem:$0x3FB2] =	sst s10  }
0x32: {  	s10 =	sld [smem:$0x3FB0];
	_ =	sdelay $0x3  }
0x33: {  	p0 =	seq.s32 s10, $0x1;
	s10 =	sld [smem:$0x3FB2];
	_ =	sdelay $0x3  }
0x34: {  	[smem:$0x3FB2] =	sst s10  }
0x35: {  	s10 =	sld [smem:$0x3FB1];
	_ =	sdelay $0x3  }
0x36: {  	p1 =	seq.s32 s10, $0x1;
	s10 =	sld [smem:$0x3FB2];
	_ =	sdelay $0x3  }
0x37: {  	[smem:$0x3FB2] =	sst s10  }
0x38: {  	s10 =	sld [smem:$0x3FB3]  }
0x39: {  	_ = 	snop;
	(pc) =	sbr.ind lr, $3  }
0x3a: {  	_ = 	snop  }
0x3b: {  	_ = 	snop  }
0x3c: {  	p2 =	seq.s32 s10, $0x1;
	s10 =	sld [smem:$0x3FB2]  }
0x3d: {  	_ =	shalt  }
0x3e: {  	_ =	shalt  }
0x3f: {  	_ =	shalt  }
0x40: {  	_ =	shalt  }
0x41: {  	_ =	shalt  }
0x42: {  	_ =	shalt  }
0x43: {  	_ =	shalt  }
0x44: {  	_ =	shalt  }
0x45: {  	_ =	shalt  }
0x46: {  	_ =	shalt  }
0x47: {  	_ =	shalt  }
0x48: {  	_ =	shalt  }
0x49: {  	_ =	shalt  }
0x4a: {  	_ =	shalt  }
0x4b: {  	_ =	shalt  }
0x4c: {  	_ =	shalt  }
0x4d: {  	_ =	shalt  }
0x4e: {  	_ =	shalt  }
0x4f: {  	_ =	shalt  }
0x50: {  	_ =	shalt  }
0x51: {  	_ =	shalt  }
0x52: {  	_ =	shalt  }
0x53: {  	_ =	shalt  }
0x54: {  	_ =	shalt  }
0x55: {  	_ =	shalt  }
0x56: {  	_ =	shalt  }
0x57: {  	_ =	shalt  }
0x58: {  	_ =	shalt  }
0x59: {  	_ =	shalt  }
0x5a: {  	_ =	shalt  }
0x5b: {  	_ =	shalt  }
0x5c: {  	_ =	shalt  }
0x5d: {  	_ =	shalt  }
0x5e: {  	_ =	shalt  }
0x5f: {  	_ =	shalt  }
0x60: {  	_ =	shalt  }
0x61: {  	_ =	shalt  }
0x62: {  	_ =	shalt  }
0x63: {  	_ =	shalt  }
0x64: {  	_ =	shalt  }
0x65: {  	_ =	shalt  }
0x66: {  	_ =	shalt  }
0x67: {  	_ =	shalt  }
0x68: {  	_ =	shalt  }
0x69: {  	_ =	shalt  }
0x6a: {  	_ =	shalt  }
0x6b: {  	_ =	shalt  }
0x6c: {  	_ =	shalt  }
0x6d: {  	_ =	shalt  }
0x6e: {  	_ =	shalt  }
0x6f: {  	_ =	shalt  }
0x70: {  	_ =	shalt  }
0x71: {  	_ =	shalt  }
0x72: {  	_ =	shalt  }
0x73: {  	_ =	shalt  }
0x74: {  	_ =	shalt  }
0x75: {  	_ =	shalt  }
0x76: {  	_ =	shalt  }
0x77: {  	_ =	shalt  }
0x78: {  	_ =	shalt  }
0x79: {  	_ =	shalt  }
0x7a: {  	_ =	shalt  }
0x7b: {  	_ =	shalt  }
0x7c: {  	_ =	shalt  }
0x7d: {  	_ =	shalt  }
0x7e: {  	_ =	shalt  }
0x7f: {  	_ =	shalt  }
0x80: {  	_ =	shalt  }
0x81: {  	_ =	shalt  }
0x82: {  	_ =	shalt  }
0x83: {  	_ =	shalt  }
0x84: {  	_ =	shalt  }
0x85: {  	_ =	shalt  }
0x86: {  	_ =	shalt  }
0x87: {  	_ =	shalt  }
.Lfunc_end0:
.L_simem_size_0:
called_computation.3_lowered:
.L_overlay_start_0:
0x88: {  	s2 =	sld [smem:$0x3FD9]  }
0x89: {  	s3 =	sld [smem:$0x3FFE];
	_ =	sdelay $0x1  }
0x8a: {  	s1 =	srdreg.scid  }
0x8b: {  	s0 =	sand.u32 $0x1, s1  }
0x8c: {  	s17 =	sshll.u32 s0, $0xA;
	s2 =	sadd.s32 s3, s2  }
0x8d: {  	s2 =	sadd.s32 s2, s17  }
0x8e: {  	[smem:$0x3FBE] =	sst s2  }
0x8f: {  	_ = 	snop  }
0x90: {  	(tm) =	ssettm $0x1  }
0x91: {  	s18 =	sld [smem:$0x3FFB];
	_ =	sdelay $0x3  }
0x92: {  	_ =	strace s18  }
0x93: {  	s2 =	sld [smem:$0x3FFC];
	_ =	sdelay $0x3  }
0x94: {  	_ =	strace s2  }
0x95: {  	s2 =	sld [smem:$0x3FFD];
	_ =	sdelay $0x3  }
0x96: {  	_ =	strace s2  }
0x97: {  	_ =	strace $0x8FFFFFFF  }
0x98: {  	s19 =	sld [smem:$0x3FDB];
	_ =	sdelay $0x1  }
0x99: {  	s20 =	simm.s32 $_scs_section_size  }
0x9a: {  	s4 =	simm.s32 $_size__tile_overlayer_lowered;
	s5 =	simm.s32 $_tile_overlayer_lowered  }
0x9b: {  	s6 =	simm.s32 $0x1BFF;
	s21 =	sshll.u32 s5, $0x1;
	s3 =	sadd.s32 s20, s19  }
0x9c: {  	s22 =	simm.s32 $0x0;
	s4 =	sshll.u32 s4, $0x1;
	s5 =	sadd.s32 s21, s3  }
0x9d: {  	[timem:s22], [sflag:s6] =	dma.local [hbm:s5], s4  }
0x9e: {  	_ =	swait.ge [sflag:s6], s4  }
0x9f: {  	s4 =	ssub.s32 $0x0, s4;
	[sflag:s6] =	ssyncset.done $0x0  }
0xa0: {  	[sflag:s6] =	ssyncadd.s32 s4;
	_ =	sdelay $0x1  }
0xa1: {  	s23 =	simm.s32 $0x1B8B  }
0xa2: {  	_ =	swait.ge [sflag:s23], $0x1  }
0xa3: {  	[sflag:s23] =	ssyncset.done $0x0  }
0xa4: {  	[sflag:s23] =	ssyncadd.s32 $0xFFFFFFFF  }
0xa5: {  	s4 =	sld [smem:$0x0]  }
0xa6: {  	s5 =	sand.u32 $0xFFFFFFFE, s1  }
0xa7: {  	p0 =	sne.s32 s1, s5  }
0xa8: {  	s5 =	sshll.u32 @p0 s5, $0xE  }
0xa9: {  	s5 =	sadd.s32 @p0 $0x11B8D, s5;
	s6 =	sshll.u32 @p0 s4, $0x11  }
0xaa: {  	s5 =	sor.u32 @p0 s6, s5  }
0xab: {  	[sflag:s5] =	ssyncadd.remote.s32 @p0 $0x1;
	_ =	sdelay $0x1  }
0xac: {  	s5 =	simm.s32 @p0 $0x1B8D  }
0xad: {  	_ =	swait.eq @p0 [sflag:s5], $0x1  }
0xae: {  	[sflag:s5] =	ssyncadd.s32 @p0 $0xFFFFFFFF  }
0xaf: {  	s6 =	sshll.u32 @!p0 s1, $0xE  }
0xb0: {  	s6 =	sor.u32 @!p0 $0x4000, s6;
	s5 =	simm.s32 @!p0 $0x1B8D  }
0xb1: {  	s4 =	sshll.u32 @!p0 s4, $0x11;
	s6 =	sadd.s32 @!p0 $0x11B8D, s6;
	_ =	swait.eq @!p0 [sflag:s5], $0x1  }
0xb2: {  	s4 =	sor.u32 @!p0 s4, s6;
	[sflag:s5] =	ssyncadd.s32 @!p0 $0xFFFFFFFF  }
0xb3: {  	s25 =	simm.s32 $0x1B8E;
	s24 =	sld [smem:$0x3FFE];
	[sflag:s4] =	ssyncadd.remote.s32 @!p0 $0x1  }
0xb4: {  	s26 =	simm.s32 $execute0_lowered;
	[smem:$0x3FD2] =	sst s25  }
0xb5: {  	s5 =	sshll.u32 s26, $0x1;
	_ =	strace $0x8000004F;
	[dreg:$0x1] =	wrdreg $0xFFFFFFFF  }
0xb6: {  	s28 =	simm.s32 $_size_execute0_lowered;
	s3 =	sadd.s32 s3, s5;
	[dreg:$0x0] =	wrdreg $0x0  }
0xb7: {  	s5 =	sshll.u32 s28, $0x1;
	[dreg:$0x2] =	wrdreg s3  }
0xb8: {  	[dreg:$0x3] =	wrdreg s5  }
0xb9: {  	[dreg:$0x4] =	wrdreg $0xC0  }
0xba: {  	_ =	task [dreg:s22], $0x5FFFF  }
0xbb: {  	[dreg:$0x1] =	wrdreg $0xFFFFFFFF  }
0xbc: {  	[dreg:$0x0] =	wrdreg $0x60  }
0xbd: {  	[dreg:$0x2] =	wrdreg s24  }
0xbe: {  	[dreg:$0x3] =	wrdreg $0xC  }
0xbf: {  	_ =	task.clear_ibuf [dreg:s22], $0x4FFFF;
	_ =	strace $0x9000004F  }
0xc0: {  	s29 =	simm.s32 $0xC;
	_ =	strace $0x80000051  }
0xc1: {  	_ =	swait.ge [sflag:s29], $0x1  }
0xc2: {  	[sflag:s29] =	ssyncadd.s32 $0xFFFFFFFF  }
0xc3: {  	_ =	strace $0x90000051  }
0xc4: {  	_ =	sfence  }
0xc5: {  	s30 =	sld [smem:$0x0];
	_ =	sdelay $0x2  }
0xc6: {  	s31 =	sshll.u32 s1, $0xD;
	s1 =	sshrl.u32 s1, $0x2  }
0xc7: {  	s4 =	sand.u32 $0x4000, s31;
	s1 =	sadd.s32 s1, s30  }
0xc8: {  	s0 =	sor.u32 s4, s0;
	s1 =	sshll.u32 s1, $0x11  }
0xc9: {  	s0 =	sor.u32 s1, s0  }
0xca: {  	s0 =	sadd.s32 $0x8F2B, s0  }
0xcb: {  	[sflag:s0] =	ssyncadd.remote.s32 $0x1  }
0xcc: {  	_ =	sfence.sel $0xFFFF  }
0xcd: {  	[dreg:$0x0] =	wrdreg $0xFFFFFFFF;
	(pc) =	sbr.abs _section_cstart, $3  }
0xce: {  	[dreg:$0x1] =	wrdreg $0xFFFFFFFF  }
0xcf: {  	_ =	task.clear_ibuf [dreg:s22], $0x2FFFF;
	_ =	strace $0x9FFFFFFF  }
0xd0: {  	(tm) =	ssettm $0x7FFFFFFF  }
0xd1: {  	_ =	shalt  }
tec
execute0_lowered:
.L_overlay_start_1:
0x0: {  	(tag) =	ssettag $0x1  }
0x1: {  	s5 =	rddreg [dreg:$0x0]  }
0x2: {  	s0 =	rddreg [dreg:$0x1];
	s1 =	stileid.u32  }
0x3: {  	s2 =	simm.s32 $0x0;
	s4 =	srdreg.scid;
	s3 =	smul.u32 $0xA0, s1  }
0x4: {  	[smem:$0x7FF] =	sst s2;
	s7 =	smul.u32 $0x5000, s1  }
0x5: {  	s8 =	sand.u32 $0x1, s4;
	s4 =	sadd.s32 $0xC6E00, s5;
	s11 =	sshll.u32 s1, $0x3  }
0x6: {  	_ =	strace $0x80000050;
	s9 =	ssub.s32 $0x2, s8;
	s30 =	smul.u32 $0x50, s8  }
0x7: {  	s31 =	smul.u32 $0x2800, s8;
	s12 =	sshll.u32 s8, $0x2;
	s6 =	sadd.s32 s3, s5  }
0x8: {  	s3 =	sadd.s32 $0x3800, s5;
	s10 =	sadd.s32 s7, s5;
	s29 =	sshrl.u32 s9, $0x1  }
0x9: {  	s5 =	ssub.s32 s9, s29;
	s7 =	sadd.s32 s30, s6;
	s9 =	sadd.s32 s31, s10  }
0xa: {  	s10 =	sor.u32 s12, s11;
	s6 =	sadd.s32 $0x18EA00, s7;
	s7 =	sadd.s32 $0x18E000, s7  }
0xb: {  	s5 =	smax.u32 s5, $0x1;
	s8 =	sadd.s32 $0x364A00, s9;
	s9 =	sadd.s32 $0x3B2C00, s9  }
.LBB2_1:
0xc: {  	p0 =	sgt.u32 s10, $0x7C  }
0xd: {  	s11 =	sadd.s32 @!p0 $0x0, s6;
	s12 =	simm.s32 @!p0 $0x0;
	s13 =	simm.s32 @!p0 $0x4  }
0xe: {  	[tilespmem:s12], [sflag:$0x4] =	stream.linear.gather @!p0 [hbm4b:s11+s12], $0xA0, $0x38;
	[tilespmem:$0xA200] =	vst v63  }
0xf: {  	_ =	swait.ge @!p0 [sflag:s13], $0xA0;
	p0 =	por p0, p0  }
0x10: {  	[sflag:s13] =	ssyncset.done @!p0 $0x0  }
0x11: {  	s11 =	sadd.s32 @!p0 $0x0, s7;
	s14 =	simm.s32 @!p0 $0x100;
	[sflag:s13] =	ssyncadd.s32 @!p0 $0xFFFFFF60  }
0x12: {  	[tilespmem:s14], [sflag:$0x4] =	stream.linear.gather @!p0 [hbm4b:s11+s12], $0xA0, $0x38;
	[tilespmem:$0xA200] =	vst v63  }
0x13: {  	_ =	swait.ge @!p0 [sflag:s13], $0xA0  }
0x14: {  	[sflag:s13] =	ssyncset.done @!p0 $0x0  }
0x15: {  	s15 =	simm.s32 @!p0 $0x200;
	s11 =	simm.s32 @!p0 $0xA0;
	[sflag:s13] =	ssyncadd.s32 @!p0 $0xFFFFFF60  }
0x16: {  	[tilespmem:s15], [sflag:$0x1] =	stream.indirect.gather @!p0 [hbm4b:s3+s11], $0x80, s12, s11, $0xb8;
	[tilespmem:$0xA200] =	vst v63  }
0x17: {  	s16 =	simm.s32 @!p0 $0x5200;
	s17 =	simm.s32 @!p0 $0x1  }
0x18: {  	[tilespmem:s16], [sflag:$0x2] =	stream.indirect.gather @!p0 [hbm4b:s4+s11], $0x80, s14, s11, $0xb8;
	[tilespmem:$0xA200] =	vst v63  }
0x19: {  	_ =	swait.ge @!p0 [sflag:s17], $0x5000  }
0x1a: {  	[sflag:s17] =	ssyncset.done @!p0 $0x0  }
0x1b: {  	[sflag:s17] =	ssyncadd.s32 @!p0 $0xFFFFB000  }
0x1c: {  	[hbm4b:s8+s12] =	stream.linear.scatter @!p0 [tilespmem:s15], [sflag:$0x4], $0x5000, $0x38;
	[tilespmem:$0xA200] =	vst v63  }
0x1d: {  	_ =	swait.ge @!p0 [sflag:s13], $0x5000  }
0x1e: {  	[sflag:s13] =	ssyncset.done @!p0 $0x0  }
0x1f: {  	s11 =	simm.s32 @!p0 $0x2;
	[sflag:s13] =	ssyncadd.s32 @!p0 $0xFFFFB000  }
0x20: {  	s14 =	simm.s32 $0x28;
	_ =	swait.ge @!p0 [sflag:s11], $0x5000  }
0x21: {  	s17 =	simm.s32 @!p0 $0x3;
	s15 =	sadd.s32 $0x1, s10;
	[sflag:s11] =	ssyncset.done @!p0 $0x0  }
0x22: {  	p2 =	sgt.u32 s15, $0x7C;
	s13 =	simm.s32 $0x14;
	[sflag:s11] =	ssyncadd.s32 @!p0 $0xFFFFB000  }
0x23: {  	[hbm4b:s9+s12] =	stream.linear.scatter @!p0 [tilespmem:s16], [sflag:$0x3], $0x5000, $0x38;
	[tilespmem:$0xA200] =	vst v63  }
0x24: {  	s11 =	sadd.s32 $0xA00, s9;
	s12 =	sadd.s32 $0xA00, s8;
	_ =	swait.ge @!p0 [sflag:s17], $0x5000  }
.LBB2_2:
0x25: {  	s18 =	sadd.s32 @!p2 s13, s6;
	s16 =	simm.s32 @!p2 $0x0  }
0x26: {  	[sflag:s17] =	ssyncset.done @!p0 $0x0;
	s19 =	smov.u32 s14;
	s20 =	smov.u32 s11  }
0x27: {  	s14 =	sadd.s32 $0x14, s14;
	s21 =	simm.s32 @!p2 $0x4;
	[sflag:s17] =	ssyncadd.s32 @!p0 $0xFFFFB000  }
0x28: {  	[tilespmem:s16], [sflag:$0x4] =	stream.linear.gather @!p2 [hbm4b:s18+s16], $0xA0, $0x38;
	[tilespmem:$0xA200] =	vst v63  }
0x29: {  	p1 =	sne.s32 s14, $0x50;
	p0 =	por p2, p2;
	_ =	swait.ge @!p2 [sflag:s21], $0xA0  }
0x2a: {  	[sflag:s21] =	ssyncset.done @!p0 $0x0  }
0x2b: {  	s13 =	sadd.s32 @!p0 s13, s7;
	s17 =	simm.s32 @!p0 $0x100;
	[sflag:s21] =	ssyncadd.s32 @!p0 $0xFFFFFF60  }
0x2c: {  	[tilespmem:s17], [sflag:$0x4] =	stream.linear.gather @!p0 [hbm4b:s13+s16], $0xA0, $0x38;
	[tilespmem:$0xA200] =	vst v63  }
0x2d: {  	s13 =	smov.u32 s19;
	_ =	swait.ge @!p0 [sflag:s21], $0xA0  }
0x2e: {  	[sflag:s21] =	ssyncset.done @!p0 $0x0  }
0x2f: {  	s18 =	simm.s32 @!p0 $0xA0;
	s19 =	simm.s32 @!p0 $0x200;
	[sflag:s21] =	ssyncadd.s32 @!p0 $0xFFFFFF60  }
0x30: {  	[tilespmem:s19], [sflag:$0x1] =	stream.indirect.gather @!p0 [hbm4b:s3+s18], $0x80, s16, s18, $0xb8;
	[tilespmem:$0xA200] =	vst v63  }
0x31: {  	s22 =	simm.s32 @!p0 $0x5200;
	s23 =	simm.s32 @!p0 $0x1  }
0x32: {  	[tilespmem:s22], [sflag:$0x2] =	stream.indirect.gather @!p0 [hbm4b:s4+s18], $0x80, s17, s18, $0xb8;
	[tilespmem:$0xA200] =	vst v63  }
0x33: {  	_ =	swait.ge @!p0 [sflag:s23], $0x5000  }
0x34: {  	[sflag:s23] =	ssyncset.done @!p0 $0x0  }
0x35: {  	[sflag:s23] =	ssyncadd.s32 @!p0 $0xFFFFB000  }
0x36: {  	[hbm4b:s12+s16] =	stream.linear.scatter @!p0 [tilespmem:s19], [sflag:$0x4], $0x5000, $0x38;
	[tilespmem:$0xA200] =	vst v63  }
0x37: {  	_ =	swait.ge @!p0 [sflag:s21], $0x5000  }
0x38: {  	[sflag:s21] =	ssyncset.done @!p0 $0x0  }
0x39: {  	s17 =	simm.s32 @!p0 $0x2;
	[sflag:s21] =	ssyncadd.s32 @!p0 $0xFFFFB000  }
.Ltmp0:
0x3a: {  	_ =	swait.ge @!p0 [sflag:s17], $0x5000;
	(pc) =	sbr.rel @p1 .LBB2_2-.Ltmp0, $4  }
0x3b: {  	s11 =	sadd.s32 $0xA00, s11;
	[sflag:s17] =	ssyncset.done @!p0 $0x0  }
0x3c: {  	s15 =	sadd.s32 $0x1, s15;
	[sflag:s17] =	ssyncadd.s32 @!p0 $0xFFFFB000;
	s17 =	simm.s32 @!p0 $0x3  }
0x3d: {  	[hbm4b:s20+s16] =	stream.linear.scatter @!p0 [tilespmem:s22], [sflag:$0x3], $0x5000, $0x38;
	[tilespmem:$0xA200] =	vst v63  }
0x3e: {  	p2 =	sgt.u32 s15, $0x7C;
	s12 =	sadd.s32 $0xA00, s12;
	_ =	swait.ge @!p0 [sflag:s17], $0x5000  }
0x3f: {  	s14 =	sadd.s32 @!p2 s13, s6;
	[sflag:s17] =	ssyncset.done @!p0 $0x0  }
0x40: {  	s15 =	simm.s32 @!p2 $0x0;
	s16 =	simm.s32 @!p2 $0x4;
	[sflag:s17] =	ssyncadd.s32 @!p0 $0xFFFFB000  }
0x41: {  	[tilespmem:s15], [sflag:$0x4] =	stream.linear.gather @!p2 [hbm4b:s14+s15], $0xA0, $0x38;
	[tilespmem:$0xA200] =	vst v63  }
0x42: {  	p0 =	por p2, p2;
	_ =	swait.ge @!p2 [sflag:s16], $0xA0  }
0x43: {  	[sflag:s16] =	ssyncset.done @!p0 $0x0  }
0x44: {  	s13 =	sadd.s32 @!p0 s13, s7;
	s14 =	simm.s32 @!p0 $0x100;
	[sflag:s16] =	ssyncadd.s32 @!p0 $0xFFFFFF60  }
0x45: {  	[tilespmem:s14], [sflag:$0x4] =	stream.linear.gather @!p0 [hbm4b:s13+s15], $0xA0, $0x38;
	[tilespmem:$0xA200] =	vst v63  }
0x46: {  	_ =	swait.ge @!p0 [sflag:s16], $0xA0  }
0x47: {  	[sflag:s16] =	ssyncset.done @!p0 $0x0  }
0x48: {  	s17 =	simm.s32 @!p0 $0x200;
	s13 =	simm.s32 @!p0 $0xA0;
	[sflag:s16] =	ssyncadd.s32 @!p0 $0xFFFFFF60  }
0x49: {  	[tilespmem:s17], [sflag:$0x1] =	stream.indirect.gather @!p0 [hbm4b:s3+s13], $0x80, s15, s13, $0xb8;
	[tilespmem:$0xA200] =	vst v63  }
0x4a: {  	s18 =	simm.s32 @!p0 $0x5200;
	s19 =	simm.s32 @!p0 $0x1  }
0x4b: {  	[tilespmem:s18], [sflag:$0x2] =	stream.indirect.gather @!p0 [hbm4b:s4+s13], $0x80, s14, s13, $0xb8;
	[tilespmem:$0xA200] =	vst v63  }
0x4c: {  	_ =	swait.ge @!p0 [sflag:s19], $0x5000  }
0x4d: {  	[sflag:s19] =	ssyncset.done @!p0 $0x0  }
0x4e: {  	[sflag:s19] =	ssyncadd.s32 @!p0 $0xFFFFB000  }
0x4f: {  	[hbm4b:s12+s15] =	stream.linear.scatter @!p0 [tilespmem:s17], [sflag:$0x4], $0x5000, $0x38;
	[tilespmem:$0xA200] =	vst v63  }
0x50: {  	_ =	swait.ge @!p0 [sflag:s16], $0x5000  }
0x51: {  	[sflag:s16] =	ssyncset.done @!p0 $0x0  }
0x52: {  	s12 =	simm.s32 @!p0 $0x2;
	[sflag:s16] =	ssyncadd.s32 @!p0 $0xFFFFB000  }
0x53: {  	s2 =	sadd.s32 $0x1, s2;
	_ =	swait.ge @!p0 [sflag:s12], $0x5000  }
0x54: {  	p1 =	sne.s32 s2, s5;
	[sflag:s12] =	ssyncset.done @!p0 $0x0  }
.Ltmp1:
0x55: {  	[sflag:s12] =	ssyncadd.s32 @!p0 $0xFFFFB000;
	s12 =	simm.s32 @!p0 $0x3;
	(pc) =	sbr.rel @p1 .LBB2_1-.Ltmp1, $4  }
0x56: {  	[hbm4b:s11+s15] =	stream.linear.scatter @!p0 [tilespmem:s18], [sflag:$0x3], $0x5000, $0x38;
	[tilespmem:$0xA200] =	vst v63  }
0x57: {  	_ =	swait.ge @!p0 [sflag:s12], $0x5000  }
0x58: {  	[sflag:s12] =	ssyncset.done @!p0 $0x0  }
0x59: {  	[sflag:s12] =	ssyncadd.s32 @!p0 $0xFFFFB000  }
0x5a: {  	_ =	sfence.sel $0x180000  }
0x5b: {  	[bflag:$0x0] =	sbarrier.arrive $0xFFFF  }
0x5c: {  	p0 =	sne.s32 s1, $0x0;
	_ =	strace $0x90000050  }
0x5d: {  	s0 =	sadd.s32 @!p0 $0x100000, s0;
	[bflag:$0x2] =	sbarrier.arrive $0xFFFF  }
0x5e: {  	[sflag:s0] =	ssyncadd.tile.s32 @!p0 $0x1;
	_ =	shalt  }
.Lfunc_end2:
_tile_overlayer_lowered:
.L_overlay_start_2:
0x5f: {  	(tag) =	ssettag $0x2  }
0x60: {  	s0 =	rddreg [dreg:$0x0];
	s2 =	stileid.u32  }
0x61: {  	s1 =	rddreg [dreg:$0x1];
	p0 =	sne.s32 s2, $0x0  }
0x62: {  	s3 =	rddreg [dreg:$0x2];
	[bflag:$0x3] =	sbarrier.arrive $0xFFFF;
	s2 =	simm.s32 @!p0 $0x1C03  }
0x63: {  	[timem:s3], [sflag:s2] =	dma.local @!p0 [hbm:s0], s1  }
0x64: {  	s0 =	simm.s32 @!p0 $0x3  }
0x65: {  	_ =	swait.ge @!p0 [sflag:s0], s1  }
0x66: {  	s1 =	ssub.s32 @!p0 $0x0, s1;
	[sflag:s0] =	ssyncset.done @!p0 $0x0  }
0x67: {  	[sflag:s0] =	ssyncadd.s32 @!p0 s1  }
0x68: {  	[bflag:$0x3] =	sbarrier.arrive $0xFFFF  }
0x69: {  	_ =	shalt  }

// kernel: kernel.26.cloned.1.call-start
scs
__scs_entry_jumppad:
0x0: {  	(pc) =	sbr.rel $0x88, $3  }
0x1: {  	(tag) =	ssettag $0x0;
	lr =	simm.s32 $0x1  }
0x2: {  	[smem:$0x3F97] =	sst lr;
	_ =	strace $0xD0000000  }
0x3: {  	_ = 	snop  }
0x4: {  	_ = 	snop  }
0x5: {  	_ = 	snop  }
0x6: {  	_ = 	snop  }
0x7: {  	_ = 	snop  }
__scs_overlays_trampoline_lowered:
0x8: {  	[smem:$0x3FA6] =	sst s0  }
0x9: {  	[smem:$0x3FA7] =	sst s1  }
0xa: {  	[smem:$0x3FA8] =	sst s2  }
0xb: {  	[smem:$0x3FA9] =	sst s3  }
0xc: {  	[smem:$0x3FAA] =	sst s4  }
0xd: {  	[smem:$0x3FAB] =	sst s5  }
0xe: {  	[smem:$0x3FAC] =	sst s6  }
0xf: {  	[smem:$0x3FAD] =	sst s7  }
0x10: {  	[smem:$0x3FAE] =	sst s8  }
0x11: {  	[smem:$0x3FAF] =	sst s9;
	s0 =	simm.s32 @!p0 $0x0  }
0x12: {  	s1 =	sld [smem:$0x3F95];
	s0 =	simm.s32 @p0 $0x1  }
0x13: {  	[smem:$0x3FB0] =	sst s0;
	s0 =	simm.s32 @!p1 $0x0  }
0x14: {  	s2 =	sld [smem:$0x3F94];
	s0 =	simm.s32 @p1 $0x1  }
0x15: {  	[smem:$0x3FB1] =	sst s0;
	s0 =	simm.s32 @!p2 $0x0  }
0x16: {  	s3 =	sld [smem:$0x3FDB];
	s0 =	simm.s32 @p2 $0x1  }
0x17: {  	s4 =	simm.s32 $0x1BF5;
	[smem:$0x3FB3] =	sst s0  }
0x18: {  	s0 =	sld [smem:$0x3F96];
	_ =	swait.ge [sflag:s4], $0x0  }
0x19: {  	s7 =	sld [smem:$0x3F97]  }
0x1a: {  	s8 =	sadd.s32 $0xFFFFE003, lr  }
0x1b: {  	s9 =	sadd.s32 $0xFFFFFEF7, lr;
	s5 =	simm.s32 $0xFFFFFFFF;
	p2 =	slt.u32 s8, $0xFFFFF086  }
0x1c: {  	p1 =	slt.u32 s9, $0xF7A;
	s5 =	simm.s32 @!p2 $0x0  }
0x1d: {  	s5 =	simm.s32 @p1 $0x1;
	p0 =	seq.s32 s7, s2  }
0x1e: {  	s7 =	smul.u32 @!p0 $0xF7A, s2;
	p2 =	seq.s32 @!p0 s5, $0x0  }
0x1f: {  	s9 =	smul.u32 $0xF7A, s1;
	s8 =	simm.s32 @!p0 $0x1BF5;
	p2 =	por !p2, p0  }
0x20: {  	[sflag:s8] =	ssyncset.s32 @!p0 $0xFFFFF086;
	s6 =	sadd.s32 @!p0 s3, s7;
	s7 =	simm.s32 @!p0 $0x108  }
0x21: {  	s3 =	sadd.s32 s3, s9;
	s6 =	sadd.s32 @!p0 $0x88, s6;
	s7 =	simm.s32 @p2 $0x1082  }
0x22: {  	[simem:s7], [sflag:s8] =	dma.local @!p0 [hbm:s6], $0xF7A  }
0x23: {  	s9 =	sor.u32 $0xD0000000, s2;
	s6 =	simm.s32 $0x108;
	_ =	swait.ge @!p0 [sflag:s8], $0x0  }
0x24: {  	s3 =	sadd.s32 $0x88, s3;
	s6 =	simm.s32 @!p1 $0x1082;
	[sflag:s4] =	ssyncset.s32 $0xFFFFF086  }
0x25: {  	[simem:s6], [sflag:s4] =	dma.local [hbm:s3], $0xF7A  }
0x26: {  	[smem:$0x3F97] =	sst s1;
	(tag) =	ssettag s2;
	_ =	strace s9  }
0x27: {  	s1 =	sld [smem:$0x3FA7]  }
0x28: {  	s2 =	sld [smem:$0x3FA8]  }
0x29: {  	s4 =	sld [smem:$0x3FAA]  }
0x2a: {  	p0 =	seq.s32 s5, $0x0;
	s5 =	sld [smem:$0x3FAB]  }
0x2b: {  	s6 =	sld [smem:$0x3FAC]  }
0x2c: {  	s7 =	sld [smem:$0x3FAD]  }
0x2d: {  	s3 =	simm.s32 $0x108;
	s8 =	sld [smem:$0x3FAE]  }
0x2e: {  	s3 =	simm.s32 @!p0 $0x1082;
	s9 =	sld [smem:$0x3FAF]  }
0x2f: {  	lr =	sadd.s32 s0, s3;
	s0 =	sld [smem:$0x3FA6]  }
0x30: {  	s3 =	sld [smem:$0x3FA9]  }
0x31: {  	[smem:$0x3FB2] =	sst s10  }
0x32: {  	s10 =	sld [smem:$0x3FB0];
	_ =	sdelay $0x3  }
0x33: {  	p0 =	seq.s32 s10, $0x1;
	s10 =	sld [smem:$0x3FB2];
	_ =	sdelay $0x3  }
0x34: {  	[smem:$0x3FB2] =	sst s10  }
0x35: {  	s10 =	sld [smem:$0x3FB1];
	_ =	sdelay $0x3  }
0x36: {  	p1 =	seq.s32 s10, $0x1;
	s10 =	sld [smem:$0x3FB2];
	_ =	sdelay $0x3  }
0x37: {  	[smem:$0x3FB2] =	sst s10  }
0x38: {  	s10 =	sld [smem:$0x3FB3]  }
0x39: {  	_ = 	snop;
	(pc) =	sbr.ind lr, $3  }
0x3a: {  	_ = 	snop  }
0x3b: {  	_ = 	snop  }
0x3c: {  	p2 =	seq.s32 s10, $0x1;
	s10 =	sld [smem:$0x3FB2]  }
0x3d: {  	_ =	shalt  }
0x3e: {  	_ =	shalt  }
0x3f: {  	_ =	shalt  }
0x40: {  	_ =	shalt  }
0x41: {  	_ =	shalt  }
0x42: {  	_ =	shalt  }
0x43: {  	_ =	shalt  }
0x44: {  	_ =	shalt  }
0x45: {  	_ =	shalt  }
0x46: {  	_ =	shalt  }
0x47: {  	_ =	shalt  }
0x48: {  	_ =	shalt  }
0x49: {  	_ =	shalt  }
0x4a: {  	_ =	shalt  }
0x4b: {  	_ =	shalt  }
0x4c: {  	_ =	shalt  }
0x4d: {  	_ =	shalt  }
0x4e: {  	_ =	shalt  }
0x4f: {  	_ =	shalt  }
0x50: {  	_ =	shalt  }
0x51: {  	_ =	shalt  }
0x52: {  	_ =	shalt  }
0x53: {  	_ =	shalt  }
0x54: {  	_ =	shalt  }
0x55: {  	_ =	shalt  }
0x56: {  	_ =	shalt  }
0x57: {  	_ =	shalt  }
0x58: {  	_ =	shalt  }
0x59: {  	_ =	shalt  }
0x5a: {  	_ =	shalt  }
0x5b: {  	_ =	shalt  }
0x5c: {  	_ =	shalt  }
0x5d: {  	_ =	shalt  }
0x5e: {  	_ =	shalt  }
0x5f: {  	_ =	shalt  }
0x60: {  	_ =	shalt  }
0x61: {  	_ =	shalt  }
0x62: {  	_ =	shalt  }
0x63: {  	_ =	shalt  }
0x64: {  	_ =	shalt  }
0x65: {  	_ =	shalt  }
0x66: {  	_ =	shalt  }
0x67: {  	_ =	shalt  }
0x68: {  	_ =	shalt  }
0x69: {  	_ =	shalt  }
0x6a: {  	_ =	shalt  }
0x6b: {  	_ =	shalt  }
0x6c: {  	_ =	shalt  }
0x6d: {  	_ =	shalt  }
0x6e: {  	_ =	shalt  }
0x6f: {  	_ =	shalt  }
0x70: {  	_ =	shalt  }
0x71: {  	_ =	shalt  }
0x72: {  	_ =	shalt  }
0x73: {  	_ =	shalt  }
0x74: {  	_ =	shalt  }
0x75: {  	_ =	shalt  }
0x76: {  	_ =	shalt  }
0x77: {  	_ =	shalt  }
0x78: {  	_ =	shalt  }
0x79: {  	_ =	shalt  }
0x7a: {  	_ =	shalt  }
0x7b: {  	_ =	shalt  }
0x7c: {  	_ =	shalt  }
0x7d: {  	_ =	shalt  }
0x7e: {  	_ =	shalt  }
0x7f: {  	_ =	shalt  }
0x80: {  	_ =	shalt  }
0x81: {  	_ =	shalt  }
0x82: {  	_ =	shalt  }
0x83: {  	_ =	shalt  }
0x84: {  	_ =	shalt  }
0x85: {  	_ =	shalt  }
0x86: {  	_ =	shalt  }
0x87: {  	_ =	shalt  }
.Lfunc_end0:
.L_simem_size_0:
called_computation.4_lowered:
.L_overlay_start_0:
0x88: {  	s2 =	sld [smem:$0x3FD9]  }
0x89: {  	s3 =	sld [smem:$0x3FFE];
	_ =	sdelay $0x1  }
0x8a: {  	s1 =	srdreg.scid  }
0x8b: {  	s0 =	sand.u32 $0x1, s1  }
0x8c: {  	s15 =	sshll.u32 s0, $0xA;
	s2 =	sadd.s32 s3, s2  }
0x8d: {  	s2 =	sadd.s32 s2, s15  }
0x8e: {  	[smem:$0x3FBE] =	sst s2  }
0x8f: {  	_ = 	snop  }
0x90: {  	s2 =	sld [smem:$0x3FD0];
	_ =	sdelay $0x2  }
0x91: {  	s16 =	simm.s32 $0xE;
	s4 =	simm.s32 $0x10  }
0x92: {  	[smem:s4], [sflag:s16] =	dma.local [hbm:s2], $0x1  }
0x93: {  	_ =	swait.eq [sflag:s16], $0x1  }
0x94: {  	[sflag:s16] =	ssyncset.done $0x0  }
0x95: {  	[sflag:s16] =	ssyncadd.s32 $0xFFFFFFFF  }
0x96: {  	s17 =	sld [smem:$0x10];
	(tm) =	ssettm $0x1  }
0x97: {  	s18 =	sld [smem:$0x3FFB];
	_ =	sdelay $0x3  }
0x98: {  	_ =	strace s18  }
0x99: {  	s2 =	sld [smem:$0x3FFC];
	_ =	sdelay $0x3  }
0x9a: {  	_ =	strace s2  }
0x9b: {  	s2 =	sld [smem:$0x3FFD];
	_ =	sdelay $0x3  }
0x9c: {  	_ =	strace s2  }
0x9d: {  	_ =	strace $0x8FFFFFFF  }
0x9e: {  	s19 =	sld [smem:$0x3FDB];
	_ =	sdelay $0x1  }
0x9f: {  	s20 =	simm.s32 $_scs_section_size  }
0xa0: {  	s5 =	simm.s32 $_size__tile_overlayer_lowered;
	s6 =	simm.s32 $_tile_overlayer_lowered  }
0xa1: {  	s7 =	simm.s32 $0x1BFF;
	s21 =	sshll.u32 s6, $0x1;
	s4 =	sadd.s32 s20, s19  }
0xa2: {  	s22 =	simm.s32 $0x0;
	s5 =	sshll.u32 s5, $0x1;
	s6 =	sadd.s32 s21, s4  }
0xa3: {  	[timem:s22], [sflag:s7] =	dma.local [hbm:s6], s5  }
0xa4: {  	_ =	swait.ge [sflag:s7], s5  }
0xa5: {  	s5 =	ssub.s32 $0x0, s5;
	[sflag:s7] =	ssyncset.done $0x0  }
0xa6: {  	[sflag:s7] =	ssyncadd.s32 s5;
	_ =	sdelay $0x1  }
0xa7: {  	s23 =	simm.s32 $0x1B8B  }
0xa8: {  	_ =	swait.ge [sflag:s23], $0x1  }
0xa9: {  	[sflag:s23] =	ssyncset.done $0x0  }
0xaa: {  	[sflag:s23] =	ssyncadd.s32 $0xFFFFFFFF  }
0xab: {  	s5 =	sld [smem:$0x0]  }
0xac: {  	s6 =	sand.u32 $0xFFFFFFFE, s1  }
0xad: {  	p0 =	sne.s32 s1, s6  }
0xae: {  	s6 =	sshll.u32 @p0 s6, $0xE  }
0xaf: {  	s6 =	sadd.s32 @p0 $0x11B8D, s6;
	s7 =	sshll.u32 @p0 s5, $0x11  }
0xb0: {  	s6 =	sor.u32 @p0 s7, s6  }
0xb1: {  	[sflag:s6] =	ssyncadd.remote.s32 @p0 $0x1;
	_ =	sdelay $0x1  }
0xb2: {  	s6 =	simm.s32 @p0 $0x1B8D  }
0xb3: {  	_ =	swait.eq @p0 [sflag:s6], $0x1  }
0xb4: {  	[sflag:s6] =	ssyncadd.s32 @p0 $0xFFFFFFFF  }
0xb5: {  	s7 =	sshll.u32 @!p0 s1, $0xE  }
0xb6: {  	s7 =	sor.u32 @!p0 $0x4000, s7;
	s6 =	simm.s32 @!p0 $0x1B8D  }
0xb7: {  	s5 =	sshll.u32 @!p0 s5, $0x11;
	s7 =	sadd.s32 @!p0 $0x11B8D, s7;
	_ =	swait.eq @!p0 [sflag:s6], $0x1  }
0xb8: {  	s5 =	sor.u32 @!p0 s5, s7;
	[sflag:s6] =	ssyncadd.s32 @!p0 $0xFFFFFFFF  }
0xb9: {  	s25 =	simm.s32 $0x1B8E;
	s24 =	sld [smem:$0x3FFE];
	[sflag:s5] =	ssyncadd.remote.s32 @!p0 $0x1  }
0xba: {  	s26 =	simm.s32 $execute0_lowered;
	[smem:$0x3FD2] =	sst s25  }
0xbb: {  	s6 =	sshll.u32 s26, $0x1;
	_ =	strace $0x80000052;
	[dreg:$0x1] =	wrdreg $0xFFFFFFFF  }
0xbc: {  	s28 =	simm.s32 $_size_execute0_lowered;
	s4 =	sadd.s32 s4, s6;
	[dreg:$0x0] =	wrdreg $0x0  }
0xbd: {  	s6 =	sshll.u32 s28, $0x1;
	[dreg:$0x2] =	wrdreg s4  }
0xbe: {  	[dreg:$0x3] =	wrdreg s6  }
0xbf: {  	[dreg:$0x4] =	wrdreg $0xC0  }
0xc0: {  	_ =	task [dreg:s22], $0x5FFFF  }
0xc1: {  	[dreg:$0x1] =	wrdreg $0xFFFFFFFF  }
0xc2: {  	[dreg:$0x0] =	wrdreg $0x60  }
0xc3: {  	[dreg:$0x2] =	wrdreg s24  }
0xc4: {  	[dreg:$0x3] =	wrdreg s17  }
0xc5: {  	[dreg:$0x4] =	wrdreg $0xD  }
0xc6: {  	_ =	task.clear_ibuf [dreg:s22], $0x5FFFF;
	_ =	strace $0x90000052  }
0xc7: {  	s29 =	simm.s32 $0xD;
	_ =	strace $0x80000054  }
0xc8: {  	_ =	swait.ge [sflag:s29], $0x1  }
0xc9: {  	[sflag:s29] =	ssyncadd.s32 $0xFFFFFFFF  }
0xca: {  	_ =	strace $0x90000054  }
0xcb: {  	_ =	sfence  }
0xcc: {  	s30 =	sld [smem:$0x0];
	_ =	sdelay $0x2  }
0xcd: {  	s31 =	sshll.u32 s1, $0xD;
	s1 =	sshrl.u32 s1, $0x2  }
0xce: {  	s4 =	sand.u32 $0x4000, s31;
	s1 =	sadd.s32 s1, s30  }
0xcf: {  	s0 =	sor.u32 s4, s0;
	s1 =	sshll.u32 s1, $0x11  }
0xd0: {  	s0 =	sor.u32 s1, s0  }
0xd1: {  	s0 =	sadd.s32 $0x8F2B, s0  }
0xd2: {  	[sflag:s0] =	ssyncadd.remote.s32 $0x1  }
0xd3: {  	_ =	sfence.sel $0xFFFF  }
0xd4: {  	[dreg:$0x0] =	wrdreg $0xFFFFFFFF;
	(pc) =	sbr.abs _section_cstart, $3  }
0xd5: {  	[dreg:$0x1] =	wrdreg $0xFFFFFFFF  }
0xd6: {  	_ =	task.clear_ibuf [dreg:s22], $0x2FFFF;
	_ =	strace $0x9FFFFFFF  }
0xd7: {  	(tm) =	ssettm $0x7FFFFFFF  }
tec
execute0_lowered:
.L_overlay_start_1:
0x0: {  	(tag) =	ssettag $0x1  }
0x1: {  	s5 =	rddreg [dreg:$0x0]  }
0x2: {  	s6 =	rddreg [dreg:$0x1]  }
0x3: {  	s0 =	rddreg [dreg:$0x2];
	s1 =	stileid.u32  }
0x4: {  	s2 =	simm.s32 $0x0;
	s3 =	srdreg.scid;
	s7 =	smul.u32 $0xA0, s1  }
0x5: {  	[smem:$0x7FF] =	sst s2;
	s8 =	sand.u32 $0x1, s3;
	s10 =	smul.u32 $0x5000, s1  }
0x6: {  	s3 =	sadd.s32 $0x3800, s5;
	s4 =	sadd.s32 $0xC6E00, s5;
	s30 =	sshll.u32 s1, $0x3  }
0x7: {  	_ =	strace $0x80000053;
	s11 =	ssub.s32 $0x2, s8;
	s29 =	smul.u32 $0x50, s8  }
0x8: {  	s13 =	sshll.u32 s8, $0x2;
	s8 =	smul.u32 $0x2800, s8;
	s9 =	sadd.s32 s7, s5  }
0x9: {  	s12 =	sshrl.u32 s11, $0x1;
	s10 =	sadd.s32 s10, s5;
	s7 =	sadd.s32 s7, s6  }
0xa: {  	s28 =	ssub.s32 s11, s12;
	s9 =	sadd.s32 s29, s9;
	s7 =	sadd.s32 s29, s7  }
0xb: {  	s31 =	sadd.s32 s8, s10;
	s10 =	sor.u32 s13, s30;
	s6 =	sadd.s32 $0x18F400, s9  }
0xc: {  	s5 =	smax.u32 s28, $0x1;
	s8 =	sadd.s32 $0x400E00, s31;
	s9 =	sadd.s32 $0x44F000, s31  }
.LBB2_1:
0xd: {  	p0 =	sgt.u32 s10, $0x7C  }
0xe: {  	s11 =	sadd.s32 @!p0 $0x0, s6;
	s12 =	simm.s32 @!p0 $0x0;
	s13 =	simm.s32 @!p0 $0x4  }
0xf: {  	[tilespmem:s12], [sflag:$0x4] =	stream.linear.gather @!p0 [hbm4b:s11+s12], $0xA0, $0x38;
	[tilespmem:$0xA200] =	vst v63  }
0x10: {  	_ =	swait.ge @!p0 [sflag:s13], $0xA0;
	p0 =	por p0, p0  }
0x11: {  	[sflag:s13] =	ssyncset.done @!p0 $0x0  }
0x12: {  	s11 =	sadd.s32 @!p0 $0x0, s7;
	s14 =	simm.s32 @!p0 $0x100;
	[sflag:s13] =	ssyncadd.s32 @!p0 $0xFFFFFF60  }
0x13: {  	[tilespmem:s14], [sflag:$0x4] =	stream.linear.gather @!p0 [hbm4b:s11+s12], $0xA0, $0x38;
	[tilespmem:$0xA200] =	vst v63  }
0x14: {  	_ =	swait.ge @!p0 [sflag:s13], $0xA0  }
0x15: {  	[sflag:s13] =	ssyncset.done @!p0 $0x0  }
0x16: {  	s15 =	simm.s32 @!p0 $0x200;
	s11 =	simm.s32 @!p0 $0xA0;
	[sflag:s13] =	ssyncadd.s32 @!p0 $0xFFFFFF60  }
0x17: {  	[tilespmem:s15], [sflag:$0x1] =	stream.indirect.gather @!p0 [hbm4b:s3+s11], $0x80, s12, s11, $0xb8;
	[tilespmem:$0xA200] =	vst v63  }
0x18: {  	s16 =	simm.s32 @!p0 $0x5200;
	s17 =	simm.s32 @!p0 $0x1  }
0x19: {  	[tilespmem:s16], [sflag:$0x2] =	stream.indirect.gather @!p0 [hbm4b:s4+s11], $0x80, s14, s11, $0xb8;
	[tilespmem:$0xA200] =	vst v63  }
0x1a: {  	_ =	swait.ge @!p0 [sflag:s17], $0x5000  }
0x1b: {  	[sflag:s17] =	ssyncset.done @!p0 $0x0  }
0x1c: {  	[sflag:s17] =	ssyncadd.s32 @!p0 $0xFFFFB000  }
0x1d: {  	[hbm4b:s8+s12] =	stream.linear.scatter @!p0 [tilespmem:s15], [sflag:$0x4], $0x5000, $0x38;
	[tilespmem:$0xA200] =	vst v63  }
0x1e: {  	_ =	swait.ge @!p0 [sflag:s13], $0x5000  }
0x1f: {  	[sflag:s13] =	ssyncset.done @!p0 $0x0  }
0x20: {  	s11 =	simm.s32 @!p0 $0x2;
	[sflag:s13] =	ssyncadd.s32 @!p0 $0xFFFFB000  }
0x21: {  	s14 =	simm.s32 $0x28;
	_ =	swait.ge @!p0 [sflag:s11], $0x5000  }
0x22: {  	s17 =	simm.s32 @!p0 $0x3;
	s15 =	sadd.s32 $0x1, s10;
	[sflag:s11] =	ssyncset.done @!p0 $0x0  }
0x23: {  	p2 =	sgt.u32 s15, $0x7C;
	s13 =	simm.s32 $0x14;
	[sflag:s11] =	ssyncadd.s32 @!p0 $0xFFFFB000  }
0x24: {  	[hbm4b:s9+s12] =	stream.linear.scatter @!p0 [tilespmem:s16], [sflag:$0x3], $0x5000, $0x38;
	[tilespmem:$0xA200] =	vst v63  }
0x25: {  	s11 =	sadd.s32 $0xA00, s9;
	s12 =	sadd.s32 $0xA00, s8;
	_ =	swait.ge @!p0 [sflag:s17], $0x5000  }
.LBB2_2:
0x26: {  	s18 =	sadd.s32 @!p2 s13, s6;
	s16 =	simm.s32 @!p2 $0x0  }
0x27: {  	[sflag:s17] =	ssyncset.done @!p0 $0x0;
	s19 =	smov.u32 s14;
	s20 =	smov.u32 s11  }
0x28: {  	s14 =	sadd.s32 $0x14, s14;
	s21 =	simm.s32 @!p2 $0x4;
	[sflag:s17] =	ssyncadd.s32 @!p0 $0xFFFFB000  }
0x29: {  	[tilespmem:s16], [sflag:$0x4] =	stream.linear.gather @!p2 [hbm4b:s18+s16], $0xA0, $0x38;
	[tilespmem:$0xA200] =	vst v63  }
0x2a: {  	p1 =	sne.s32 s14, $0x50;
	p0 =	por p2, p2;
	_ =	swait.ge @!p2 [sflag:s21], $0xA0  }
0x2b: {  	[sflag:s21] =	ssyncset.done @!p0 $0x0  }
0x2c: {  	s13 =	sadd.s32 @!p0 s13, s7;
	s17 =	simm.s32 @!p0 $0x100;
	[sflag:s21] =	ssyncadd.s32 @!p0 $0xFFFFFF60  }
0x2d: {  	[tilespmem:s17], [sflag:$0x4] =	stream.linear.gather @!p0 [hbm4b:s13+s16], $0xA0, $0x38;
	[tilespmem:$0xA200] =	vst v63  }
0x2e: {  	s13 =	smov.u32 s19;
	_ =	swait.ge @!p0 [sflag:s21], $0xA0  }
0x2f: {  	[sflag:s21] =	ssyncset.done @!p0 $0x0  }
0x30: {  	s18 =	simm.s32 @!p0 $0xA0;
	s19 =	simm.s32 @!p0 $0x200;
	[sflag:s21] =	ssyncadd.s32 @!p0 $0xFFFFFF60  }
0x31: {  	[tilespmem:s19], [sflag:$0x1] =	stream.indirect.gather @!p0 [hbm4b:s3+s18], $0x80, s16, s18, $0xb8;
	[tilespmem:$0xA200] =	vst v63  }
0x32: {  	s22 =	simm.s32 @!p0 $0x5200;
	s23 =	simm.s32 @!p0 $0x1  }
0x33: {  	[tilespmem:s22], [sflag:$0x2] =	stream.indirect.gather @!p0 [hbm4b:s4+s18], $0x80, s17, s18, $0xb8;
	[tilespmem:$0xA200] =	vst v63  }
0x34: {  	_ =	swait.ge @!p0 [sflag:s23], $0x5000  }
0x35: {  	[sflag:s23] =	ssyncset.done @!p0 $0x0  }
0x36: {  	[sflag:s23] =	ssyncadd.s32 @!p0 $0xFFFFB000  }
0x37: {  	[hbm4b:s12+s16] =	stream.linear.scatter @!p0 [tilespmem:s19], [sflag:$0x4], $0x5000, $0x38;
	[tilespmem:$0xA200] =	vst v63  }
0x38: {  	_ =	swait.ge @!p0 [sflag:s21], $0x5000  }
0x39: {  	[sflag:s21] =	ssyncset.done @!p0 $0x0  }
0x3a: {  	s17 =	simm.s32 @!p0 $0x2;
	[sflag:s21] =	ssyncadd.s32 @!p0 $0xFFFFB000  }
.Ltmp0:
0x3b: {  	_ =	swait.ge @!p0 [sflag:s17], $0x5000;
	(pc) =	sbr.rel @p1 .LBB2_2-.Ltmp0, $4  }
0x3c: {  	s11 =	sadd.s32 $0xA00, s11;
	[sflag:s17] =	ssyncset.done @!p0 $0x0  }
0x3d: {  	s15 =	sadd.s32 $0x1, s15;
	[sflag:s17] =	ssyncadd.s32 @!p0 $0xFFFFB000;
	s17 =	simm.s32 @!p0 $0x3  }
0x3e: {  	[hbm4b:s20+s16] =	stream.linear.scatter @!p0 [tilespmem:s22], [sflag:$0x3], $0x5000, $0x38;
	[tilespmem:$0xA200] =	vst v63  }
0x3f: {  	p2 =	sgt.u32 s15, $0x7C;
	s12 =	sadd.s32 $0xA00, s12;
	_ =	swait.ge @!p0 [sflag:s17], $0x5000  }
0x40: {  	s14 =	sadd.s32 @!p2 s13, s6;
	[sflag:s17] =	ssyncset.done @!p0 $0x0  }
0x41: {  	s15 =	simm.s32 @!p2 $0x0;
	s16 =	simm.s32 @!p2 $0x4;
	[sflag:s17] =	ssyncadd.s32 @!p0 $0xFFFFB000  }
0x42: {  	[tilespmem:s15], [sflag:$0x4] =	stream.linear.gather @!p2 [hbm4b:s14+s15], $0xA0, $0x38;
	[tilespmem:$0xA200] =	vst v63  }
0x43: {  	p0 =	por p2, p2;
	_ =	swait.ge @!p2 [sflag:s16], $0xA0  }
0x44: {  	[sflag:s16] =	ssyncset.done @!p0 $0x0  }
0x45: {  	s13 =	sadd.s32 @!p0 s13, s7;
	s14 =	simm.s32 @!p0 $0x100;
	[sflag:s16] =	ssyncadd.s32 @!p0 $0xFFFFFF60  }
0x46: {  	[tilespmem:s14], [sflag:$0x4] =	stream.linear.gather @!p0 [hbm4b:s13+s15], $0xA0, $0x38;
	[tilespmem:$0xA200] =	vst v63  }
0x47: {  	_ =	swait.ge @!p0 [sflag:s16], $0xA0  }
0x48: {  	[sflag:s16] =	ssyncset.done @!p0 $0x0  }
0x49: {  	s17 =	simm.s32 @!p0 $0x200;
	s13 =	simm.s32 @!p0 $0xA0;
	[sflag:s16] =	ssyncadd.s32 @!p0 $0xFFFFFF60  }
0x4a: {  	[tilespmem:s17], [sflag:$0x1] =	stream.indirect.gather @!p0 [hbm4b:s3+s13], $0x80, s15, s13, $0xb8;
	[tilespmem:$0xA200] =	vst v63  }
0x4b: {  	s18 =	simm.s32 @!p0 $0x5200;
	s19 =	simm.s32 @!p0 $0x1  }
0x4c: {  	[tilespmem:s18], [sflag:$0x2] =	stream.indirect.gather @!p0 [hbm4b:s4+s13], $0x80, s14, s13, $0xb8;
	[tilespmem:$0xA200] =	vst v63  }
0x4d: {  	_ =	swait.ge @!p0 [sflag:s19], $0x5000  }
0x4e: {  	[sflag:s19] =	ssyncset.done @!p0 $0x0  }
0x4f: {  	[sflag:s19] =	ssyncadd.s32 @!p0 $0xFFFFB000  }
0x50: {  	[hbm4b:s12+s15] =	stream.linear.scatter @!p0 [tilespmem:s17], [sflag:$0x4], $0x5000, $0x38;
	[tilespmem:$0xA200] =	vst v63  }
0x51: {  	_ =	swait.ge @!p0 [sflag:s16], $0x5000  }
0x52: {  	[sflag:s16] =	ssyncset.done @!p0 $0x0  }
0x53: {  	s12 =	simm.s32 @!p0 $0x2;
	[sflag:s16] =	ssyncadd.s32 @!p0 $0xFFFFB000  }
0x54: {  	s2 =	sadd.s32 $0x1, s2;
	_ =	swait.ge @!p0 [sflag:s12], $0x5000  }
0x55: {  	p1 =	sne.s32 s2, s5;
	[sflag:s12] =	ssyncset.done @!p0 $0x0  }
.Ltmp1:
0x56: {  	[sflag:s12] =	ssyncadd.s32 @!p0 $0xFFFFB000;
	s12 =	simm.s32 @!p0 $0x3;
	(pc) =	sbr.rel @p1 .LBB2_1-.Ltmp1, $4  }
0x57: {  	[hbm4b:s11+s15] =	stream.linear.scatter @!p0 [tilespmem:s18], [sflag:$0x3], $0x5000, $0x38;
	[tilespmem:$0xA200] =	vst v63  }
0x58: {  	_ =	swait.ge @!p0 [sflag:s12], $0x5000  }
0x59: {  	[sflag:s12] =	ssyncset.done @!p0 $0x0  }
0x5a: {  	[sflag:s12] =	ssyncadd.s32 @!p0 $0xFFFFB000  }
0x5b: {  	_ =	sfence.sel $0x180000  }
0x5c: {  	[bflag:$0x0] =	sbarrier.arrive $0xFFFF  }
0x5d: {  	p0 =	sne.s32 s1, $0x0;
	_ =	strace $0x90000053  }
0x5e: {  	s0 =	sadd.s32 @!p0 $0x100000, s0;
	[bflag:$0x2] =	sbarrier.arrive $0xFFFF  }
0x5f: {  	[sflag:s0] =	ssyncadd.tile.s32 @!p0 $0x1;
	_ =	shalt  }
.Lfunc_end2:
_tile_overlayer_lowered:
.L_overlay_start_2:
0x60: {  	(tag) =	ssettag $0x2  }
0x61: {  	s0 =	rddreg [dreg:$0x0];
	s2 =	stileid.u32  }
0x62: {  	s1 =	rddreg [dreg:$0x1];
	p0 =	sne.s32 s2, $0x0  }
0x63: {  	s3 =	rddreg [dreg:$0x2];
	[bflag:$0x3] =	sbarrier.arrive $0xFFFF;
	s2 =	simm.s32 @!p0 $0x1C03  }
0x64: {  	[timem:s3], [sflag:s2] =	dma.local @!p0 [hbm:s0], s1  }
0x65: {  	s0 =	simm.s32 @!p0 $0x3  }
0x66: {  	_ =	swait.ge @!p0 [sflag:s0], s1  }
0x67: {  	s1 =	ssub.s32 @!p0 $0x0, s1;
	[sflag:s0] =	ssyncset.done @!p0 $0x0  }
0x68: {  	[sflag:s0] =	ssyncadd.s32 @!p0 s1  }
0x69: {  	[bflag:$0x3] =	sbarrier.arrive $0xFFFF  }
0x6a: {  	_ =	shalt  }

</sc_bundles>
